<compile_context>
chip_gen: v7x
topology: tpu7x:2x2x1
jax: 0.10.2.dev20260603
libtpu: 0.0.44.dev20260713+nightly
codegen_flags: <defaults>
</compile_context>

<pallas_src>
import functools

import jax
import jax.numpy as jnp
from jax import lax
from jax.experimental import pallas as pl
from jax.experimental.pallas import tpu as pltpu
from jax.experimental.pallas import tpu_sc as plsc

_NUM_CORES = 2
_NUM_SUBCORES = 16
_NUM_WORKERS = _NUM_CORES * _NUM_SUBCORES


@functools.partial(jax.jit, static_argnames=("chunk", "nbuf"))
def _sc_embedding_lookup(ids, table, chunk=8, nbuf=6):
    bs, s = ids.shape
    _, d = table.shape
    n = bs * s
    per_w = n // _NUM_WORKERS
    w_per_row = s // per_w
    n_chunks = per_w // chunk
    n_steps = n_chunks // nbuf

    mesh = plsc.VectorSubcoreMesh(core_axis_name="c", subcore_axis_name="s")

    @functools.partial(
        pl.kernel,
        out_type=jax.ShapeDtypeStruct((bs, s, d), jnp.float32),
        mesh=mesh,
        scratch_types=[
            pltpu.VMEM((per_w,), jnp.int32),
            pltpu.VMEM((nbuf, chunk, d), jnp.float32),
            pltpu.SemaphoreType.DMA((nbuf,)),
            pltpu.SemaphoreType.DMA((nbuf,)),
        ],
    )
    def body(ids_hbm, table_hbm, out_hbm, idx_v, rows_v, gsem, osem):
        wid = lax.axis_index("s") * _NUM_CORES + lax.axis_index("c")
        row = wid // w_per_row
        col = (wid % w_per_row) * per_w
        pltpu.sync_copy(ids_hbm.at[row, pl.ds(col, per_w)], idx_v)

        def gather(c, b):
            off = pl.multiple_of(c * chunk, 8)
            return pltpu.make_async_copy(
                table_hbm.at[idx_v.at[pl.ds(off, chunk)]],
                rows_v.at[b],
                gsem.at[b],
            )

        def writeout(c, b):
            off = pl.multiple_of(c * chunk, 8)
            return pltpu.make_async_copy(
                rows_v.at[b],
                out_hbm.at[row, pl.ds(col + off, chunk)],
                osem.at[b],
            )

        def step(t, carry):
            for b in range(nbuf):
                c = t * nbuf + b

                @pl.when(t > 0)
                def _():
                    writeout(c - nbuf, b).wait()

                gather(c, b).start()
            for b in range(nbuf):
                c = t * nbuf + b
                gather(c, b).wait()
                writeout(c, b).start()
            return carry

        lax.fori_loop(0, n_steps, step, 0)
        rem = n_chunks - n_steps * nbuf
        for b in range(rem):
            c = n_steps * nbuf + b
            writeout(c - nbuf, b).wait()
            gather(c, b).start()
        for b in range(rem):
            c = n_steps * nbuf + b
            gather(c, b).wait()
            writeout(c, b).start()
            writeout(c, b).wait()
        for b in range(rem, nbuf):
            writeout((n_steps - 1) * nbuf + b, b).wait()

    return body(ids, table)


def kernel(input_ids, embed_tokens):
    return _sc_embedding_lookup(input_ids.astype(jnp.int32), embed_tokens)

# --- scband reference (transcript-rebuilt; emitter-appended) ---
"""Pipeline reference for scband-qwen2-moe-embeddings-32375463477426 (READ-ONLY COPY).

The authoritative reference and input builder live on the scoring server;
editing this copy changes nothing except your own understanding.
"""

import jax, jax.numpy as jnp
import numpy as np

VOCAB = 151936
HIDDEN = 2048
PAD_IDX = 0
BATCH = 4
SEQ = 4096


def setup_inputs(seed: int = 0) -> dict:
    key = jax.random.key(seed)
    k_ids, k_tab = jax.random.split(key)
    input_ids = jax.random.randint(k_ids, (BATCH, SEQ), 0, VOCAB, dtype=jnp.int64 if jax.config.jax_enable_x64 else jnp.int32)
    embed_tokens = jax.random.normal(k_tab, (VOCAB, HIDDEN), dtype=jnp.float32) * 0.02
    # nn.Embedding with padding_idx initializes that row to zeros
    embed_tokens = embed_tokens.at[PAD_IDX].set(0.0)
    return {"input_ids": input_ids, "embed_tokens": embed_tokens}


def reference(input_ids, embed_tokens):
    # hidden_states = self.embed_tokens(input_ids)
    hidden_states = jnp.take(embed_tokens, input_ids, axis=0)
    return hidden_states

if __name__ == "__main__":
    import jax
    _d = setup_inputs()
    print(jax.jit(kernel)(*tuple(_d.values())))

</pallas_src>

<mosaic_0001>
#map = affine_map<(d0, d1) -> (0, 0)>
#map1 = affine_map<(d0, d1) -> (0, 0, 0)>
module attributes {stable_mosaic.version = 14 : i64} {
  func.func @body(%arg0: i32, %arg1: i32, %arg2: memref<4x4096xi32, #tpu.memory_space<hbm>>, %arg3: memref<151936x2048xf32, #tpu.memory_space<hbm>>, %arg4: memref<4x4096x2048xf32, #tpu.memory_space<hbm>>, %arg5: memref<512xi32, #tpu.memory_space<vmem>>, %arg6: memref<6x8x2048xf32, #tpu.memory_space<vmem>>, %arg7: memref<6x!tpu.dma_semaphore, #tpu.memory_space<semaphore_mem>>, %arg8: memref<6x!tpu.dma_semaphore, #tpu.memory_space<semaphore_mem>>) attributes {dimension_semantics = [#tpu.dimension_semantics<core_parallel>, #tpu.dimension_semantics<subcore_parallel>], iteration_bounds = array<i64: 2, 16>, scalar_prefetch = 0 : i64, scratch_operands = 4 : i64, tpu.core_type = #tpu.core_type<sc_vector_subcore>, window_params = [{transform_indices = #map}, {transform_indices = #map}, {transform_indices = #map1}]} {
    %mul3A = arith.constant 2 : i32
    %mul3A_0 = arith.muli %arg1, %mul3A : i32
    %add3A = arith.addi %mul3A_0, %arg0 : i32
    %jit3A = arith.constant 8 : i32
    %div3A = arith.divsi %add3A, %jit3A : i32
    %sign3A = arith.constant 0 : i32
    %sign3A_1 = arith.cmpi sgt, %add3A, %sign3A : i32
    %sign3A_2 = arith.extui %sign3A_1 : i1 to i32
    %sign3A_3 = arith.constant 0 : i32
    %sign3A_4 = arith.cmpi slt, %add3A, %sign3A_3 : i32
    %sign3A_5 = arith.extui %sign3A_4 : i1 to i32
    %sign3A_6 = arith.subi %sign3A_2, %sign3A_5 : i32
    %sign3A_7 = arith.constant 0 : i32
    %sign3A_8 = arith.cmpi sgt, %jit3A, %sign3A_7 : i32
    %sign3A_9 = arith.extui %sign3A_8 : i1 to i32
    %sign3A_10 = arith.constant 0 : i32
    %sign3A_11 = arith.cmpi slt, %jit3A, %sign3A_10 : i32
    %sign3A_12 = arith.extui %sign3A_11 : i1 to i32
    %sign3A_13 = arith.subi %sign3A_9, %sign3A_12 : i32
    %ne3A = arith.cmpi ne, %sign3A_6, %sign3A_13 : i32
    %rem3A = arith.remsi %add3A, %jit3A : i32
    %ne3A_14 = arith.constant 0 : i32
    %ne3A_15 = arith.cmpi ne, %rem3A, %ne3A_14 : i32
    %and3A = arith.andi %ne3A, %ne3A_15 : i1
    %sub3A = arith.constant 1 : i32
    %sub3A_16 = arith.subi %div3A, %sub3A : i32
    %select_n3A = arith.select %and3A, %sub3A_16, %div3A : i32
    %jit3A_17 = arith.constant 8 : i32
    %eq3A = arith.constant 0 : i32
    %eq3A_18 = arith.cmpi eq, %jit3A_17, %eq3A : i32
    %jit3A_19 = arith.constant 1 : i32
    %select_n3A_20 = arith.select %eq3A_18, %jit3A_19, %jit3A_17 : i32
    %rem3A_21 = arith.remsi %add3A, %select_n3A_20 : i32
    %ne3A_22 = arith.constant 0 : i32
    %ne3A_23 = arith.cmpi ne, %rem3A_21, %ne3A_22 : i32
    %lt3A = arith.constant 0 : i32
    %lt3A_24 = arith.cmpi slt, %rem3A_21, %lt3A : i32
    %lt3A_25 = arith.constant 0 : i32
    %lt3A_26 = arith.cmpi slt, %select_n3A_20, %lt3A_25 : i32
    %ne3A_27 = arith.xori %lt3A_24, %lt3A_26 : i1
    %and3A_28 = arith.andi %ne3A_27, %ne3A_23 : i1
    %add3A_29 = arith.addi %rem3A_21, %select_n3A_20 : i32
    %select_n3A_30 = arith.select %and3A_28, %add3A_29, %rem3A_21 : i32
    %mul3A_31 = arith.constant 512 : i32
    %mul3A_32 = arith.muli %select_n3A_30, %mul3A_31 : i32
    "tpu.region"() ({
      %run_scoped3A = tpu.sem_alloc : memref<!tpu.dma_semaphore, #tpu.memory_space<semaphore_mem>>
      %dma_start3A_441 = tpu.memref_slice %arg2[%select_n3A, %mul3A_32] : memref<4x4096xi32, #tpu.memory_space<hbm>> -> memref<1x512xi32, #tpu.memory_space<hbm>>
      %dma_start3A_442 = tpu.memref_squeeze %dma_start3A_441 : memref<1x512xi32, #tpu.memory_space<hbm>> -> memref<512xi32, #tpu.memory_space<hbm>>
      %dma_start3A_443 = tpu.memref_slice %arg2[%select_n3A, %mul3A_32] : memref<4x4096xi32, #tpu.memory_space<hbm>> -> memref<1x512xi32, #tpu.memory_space<hbm>>
      %dma_start3A_444 = tpu.memref_squeeze %dma_start3A_443 : memref<1x512xi32, #tpu.memory_space<hbm>> -> memref<512xi32, #tpu.memory_space<hbm>>
      tpu.enqueue_dma source(%dma_start3A_444 : memref<512xi32, #tpu.memory_space<hbm>>) target(%arg5 : memref<512xi32, #tpu.memory_space<vmem>>) target_semaphore(%run_scoped3A : memref<!tpu.dma_semaphore, #tpu.memory_space<semaphore_mem>>)
      %dma_wait3A_445 = tpu.memref_slice %arg2[%select_n3A, %mul3A_32] : memref<4x4096xi32, #tpu.memory_space<hbm>> -> memref<1x512xi32, #tpu.memory_space<hbm>>
      %dma_wait3A_446 = tpu.memref_squeeze %dma_wait3A_445 : memref<1x512xi32, #tpu.memory_space<hbm>> -> memref<512xi32, #tpu.memory_space<hbm>>
      %dma_wait3A_447 = tpu.memref_slice %arg2[%select_n3A, %mul3A_32] : memref<4x4096xi32, #tpu.memory_space<hbm>> -> memref<1x512xi32, #tpu.memory_space<hbm>>
      %dma_wait3A_448 = tpu.memref_squeeze %dma_wait3A_447 : memref<1x512xi32, #tpu.memory_space<hbm>> -> memref<512xi32, #tpu.memory_space<hbm>>
      tpu.wait_dma2 semaphore(%run_scoped3A : memref<!tpu.dma_semaphore, #tpu.memory_space<semaphore_mem>>) src(%dma_wait3A_448 : memref<512xi32, #tpu.memory_space<hbm>>) dst(%arg5 : memref<512xi32, #tpu.memory_space<vmem>>)
      tpu.yield
    }) : () -> ()
    %scan3A = arith.constant 0 : i32
    %scan3A_33 = arith.constant 0 : i32
    %scan3A_34 = arith.constant 10 : i32
    %scan3A_35 = arith.addi %scan3A_33, %scan3A_34 : i32
    %scan3A_36 = arith.constant 1 : i32
    scf.for %scan3A_441 = %scan3A_33 to %scan3A_35 step %scan3A_36  : i32 {
      %mul3A_442 = arith.constant 6 : i32
      %mul3A_443 = arith.muli %scan3A_441, %mul3A_442 : i32
      %add3A_444 = arith.constant 0 : i32
      %add3A_445 = arith.addi %mul3A_443, %add3A_444 : i32
      %gt3A = arith.constant 0 : i32
      %gt3A_446 = arith.cmpi sgt, %scan3A_441, %gt3A : i32
      %convert_element_type3A = arith.extui %gt3A_446 : i1 to i32
      %cond3A = arith.constant 0 : i32
      %cond3A_447 = arith.cmpi ne, %convert_element_type3A, %cond3A : i32
      scf.if %cond3A_447 {
        %sub3A_829 = arith.constant 6 : i32
        %sub3A_830 = arith.subi %add3A_445, %sub3A_829 : i32
        %mul3A_831 = arith.constant 8 : i32
        %mul3A_832 = arith.muli %sub3A_830, %mul3A_831 : i32
        %multiple_of3A_833 = tpu.assume_multiple %mul3A_832, 8 : i32
        %add3A_834 = arith.addi %mul3A_32, %multiple_of3A_833 : i32
        %dma_wait3A_835 = arith.constant 0 : i32
        %dma_wait3A_836 = arith.constant 0 : i32
        %dma_wait3A_837 = arith.constant 0 : i32
        %dma_wait3A_838 = arith.constant 0 : i32
        %dma_wait3A_839 = tpu.memref_slice %arg6[%dma_wait3A_835, %dma_wait3A_837, %dma_wait3A_838] : memref<6x8x2048xf32, #tpu.memory_space<vmem>> -> memref<1x8x2048xf32, #tpu.memory_space<vmem>>
        %dma_wait3A_840 = tpu.memref_squeeze %dma_wait3A_839 : memref<1x8x2048xf32, #tpu.memory_space<vmem>> -> memref<8x2048xf32, #tpu.memory_space<vmem>>
        %dma_wait3A_841 = arith.constant 0 : i32
        %dma_wait3A_842 = tpu.memref_slice %arg4[%select_n3A, %add3A_834, %dma_wait3A_841] : memref<4x4096x2048xf32, #tpu.memory_space<hbm>> -> memref<1x8x2048xf32, #tpu.memory_space<hbm>>
        %dma_wait3A_843 = tpu.memref_squeeze %dma_wait3A_842 : memref<1x8x2048xf32, #tpu.memory_space<hbm>> -> memref<8x2048xf32, #tpu.memory_space<hbm>>
        %dma_wait3A_844 = tpu.memref_slice %arg8[%dma_wait3A_836] : memref<6x!tpu.dma_semaphore, #tpu.memory_space<semaphore_mem>> -> memref<1x!tpu.dma_semaphore, #tpu.memory_space<semaphore_mem>>
        %dma_wait3A_845 = tpu.memref_squeeze %dma_wait3A_844 : memref<1x!tpu.dma_semaphore, #tpu.memory_space<semaphore_mem>> -> memref<!tpu.dma_semaphore, #tpu.memory_space<semaphore_mem>>
        %dma_wait3A_846 = arith.constant 0 : i32
        %dma_wait3A_847 = tpu.memref_slice %arg4[%select_n3A, %add3A_834, %dma_wait3A_846] : memref<4x4096x2048xf32, #tpu.memory_space<hbm>> -> memref<1x8x2048xf32, #tpu.memory_space<hbm>>
        %dma_wait3A_848 = tpu.memref_squeeze %dma_wait3A_847 : memref<1x8x2048xf32, #tpu.memory_space<hbm>> -> memref<8x2048xf32, #tpu.memory_space<hbm>>
        %dma_wait3A_849 = arith.constant 0 : i32
        %dma_wait3A_850 = arith.constant 0 : i32
        %dma_wait3A_851 = tpu.memref_slice %arg6[%dma_wait3A_835, %dma_wait3A_849, %dma_wait3A_850] : memref<6x8x2048xf32, #tpu.memory_space<vmem>> -> memref<1x8x2048xf32, #tpu.memory_space<vmem>>
        %dma_wait3A_852 = tpu.memref_squeeze %dma_wait3A_851 : memref<1x8x2048xf32, #tpu.memory_space<vmem>> -> memref<8x2048xf32, #tpu.memory_space<vmem>>
        tpu.wait_dma2 semaphore(%dma_wait3A_845 : memref<!tpu.dma_semaphore, #tpu.memory_space<semaphore_mem>>) src(%dma_wait3A_852 : memref<8x2048xf32, #tpu.memory_space<vmem>>) dst(%dma_wait3A_848 : memref<8x2048xf32, #tpu.memory_space<hbm>>)
      } else {
      }
      %mul3A_448 = arith.constant 8 : i32
      %mul3A_449 = arith.muli %add3A_445, %mul3A_448 : i32
      %multiple_of3A_450 = tpu.assume_multiple %mul3A_449, 8 : i32
      %dma_start3A_451 = arith.constant 0 : i32
      %dma_start3A_452 = arith.constant 0 : i32
      %dma_start3A_453 = arith.constant 0 : i32
      %dma_start3A_454 = arith.constant 0 : i32
      %dma_start3A_455 = tpu.memref_slice %arg6[%dma_start3A_451, %dma_start3A_453, %dma_start3A_454] : memref<6x8x2048xf32, #tpu.memory_space<vmem>> -> memref<1x8x2048xf32, #tpu.memory_space<vmem>>
      %dma_start3A_456 = tpu.memref_squeeze %dma_start3A_455 : memref<1x8x2048xf32, #tpu.memory_space<vmem>> -> memref<8x2048xf32, #tpu.memory_space<vmem>>
      %dma_start3A_457 = tpu.memref_slice %arg5[%multiple_of3A_450] : memref<512xi32, #tpu.memory_space<vmem>> -> memref<8xi32, #tpu.memory_space<vmem>>
      %dma_start3A_458 = arith.constant 0 : i32
      %dma_start3A_459 = arith.constant 0 : i32
      %dma_start3A_460 = tpu.memref_slice %arg3[%dma_start3A_458, %dma_start3A_459] : memref<151936x2048xf32, #tpu.memory_space<hbm>> -> memref<151936x2048xf32, #tpu.memory_space<hbm>>
      %dma_start3A_461 = tpu.memref_slice %arg7[%dma_start3A_452] : memref<6x!tpu.dma_semaphore, #tpu.memory_space<semaphore_mem>> -> memref<1x!tpu.dma_semaphore, #tpu.memory_space<semaphore_mem>>
      %dma_start3A_462 = tpu.memref_squeeze %dma_start3A_461 : memref<1x!tpu.dma_semaphore, #tpu.memory_space<semaphore_mem>> -> memref<!tpu.dma_semaphore, #tpu.memory_space<semaphore_mem>>
      tpu.enqueue_indirect_dma source(%dma_start3A_460 : memref<151936x2048xf32, #tpu.memory_space<hbm>>) target(%dma_start3A_456 : memref<8x2048xf32, #tpu.memory_space<vmem>>) offsets(%dma_start3A_457 : memref<8xi32, #tpu.memory_space<vmem>>) semaphore(%dma_start3A_462 : memref<!tpu.dma_semaphore, #tpu.memory_space<semaphore_mem>>)
      %mul3A_463 = arith.constant 6 : i32
      %mul3A_464 = arith.muli %scan3A_441, %mul3A_463 : i32
      %add3A_465 = arith.constant 1 : i32
      %add3A_466 = arith.addi %mul3A_464, %add3A_465 : i32
      %gt3A_467 = arith.constant 0 : i32
      %gt3A_468 = arith.cmpi sgt, %scan3A_441, %gt3A_467 : i32
      %convert_element_type3A_469 = arith.extui %gt3A_468 : i1 to i32
      %cond3A_470 = arith.constant 0 : i32
      %cond3A_471 = arith.cmpi ne, %convert_element_type3A_469, %cond3A_470 : i32
      scf.if %cond3A_471 {
        %sub3A_829 = arith.constant 6 : i32
        %sub3A_830 = arith.subi %add3A_466, %sub3A_829 : i32
        %mul3A_831 = arith.constant 8 : i32
        %mul3A_832 = arith.muli %sub3A_830, %mul3A_831 : i32
        %multiple_of3A_833 = tpu.assume_multiple %mul3A_832, 8 : i32
        %add3A_834 = arith.addi %mul3A_32, %multiple_of3A_833 : i32
        %dma_wait3A_835 = arith.constant 1 : i32
        %dma_wait3A_836 = arith.constant 1 : i32
        %dma_wait3A_837 = arith.constant 0 : i32
        %dma_wait3A_838 = arith.constant 0 : i32
        %dma_wait3A_839 = tpu.memref_slice %arg6[%dma_wait3A_835, %dma_wait3A_837, %dma_wait3A_838] : memref<6x8x2048xf32, #tpu.memory_space<vmem>> -> memref<1x8x2048xf32, #tpu.memory_space<vmem>>
        %dma_wait3A_840 = tpu.memref_squeeze %dma_wait3A_839 : memref<1x8x2048xf32, #tpu.memory_space<vmem>> -> memref<8x2048xf32, #tpu.memory_space<vmem>>
        %dma_wait3A_841 = arith.constant 0 : i32
        %dma_wait3A_842 = tpu.memref_slice %arg4[%select_n3A, %add3A_834, %dma_wait3A_841] : memref<4x4096x2048xf32, #tpu.memory_space<hbm>> -> memref<1x8x2048xf32, #tpu.memory_space<hbm>>
        %dma_wait3A_843 = tpu.memref_squeeze %dma_wait3A_842 : memref<1x8x2048xf32, #tpu.memory_space<hbm>> -> memref<8x2048xf32, #tpu.memory_space<hbm>>
        %dma_wait3A_844 = tpu.memref_slice %arg8[%dma_wait3A_836] : memref<6x!tpu.dma_semaphore, #tpu.memory_space<semaphore_mem>> -> memref<1x!tpu.dma_semaphore, #tpu.memory_space<semaphore_mem>>
        %dma_wait3A_845 = tpu.memref_squeeze %dma_wait3A_844 : memref<1x!tpu.dma_semaphore, #tpu.memory_space<semaphore_mem>> -> memref<!tpu.dma_semaphore, #tpu.memory_space<semaphore_mem>>
        %dma_wait3A_846 = arith.constant 0 : i32
        %dma_wait3A_847 = tpu.memref_slice %arg4[%select_n3A, %add3A_834, %dma_wait3A_846] : memref<4x4096x2048xf32, #tpu.memory_space<hbm>> -> memref<1x8x2048xf32, #tpu.memory_space<hbm>>
        %dma_wait3A_848 = tpu.memref_squeeze %dma_wait3A_847 : memref<1x8x2048xf32, #tpu.memory_space<hbm>> -> memref<8x2048xf32, #tpu.memory_space<hbm>>
        %dma_wait3A_849 = arith.constant 0 : i32
        %dma_wait3A_850 = arith.constant 0 : i32
        %dma_wait3A_851 = tpu.memref_slice %arg6[%dma_wait3A_835, %dma_wait3A_849, %dma_wait3A_850] : memref<6x8x2048xf32, #tpu.memory_space<vmem>> -> memref<1x8x2048xf32, #tpu.memory_space<vmem>>
        %dma_wait3A_852 = tpu.memref_squeeze %dma_wait3A_851 : memref<1x8x2048xf32, #tpu.memory_space<vmem>> -> memref<8x2048xf32, #tpu.memory_space<vmem>>
        tpu.wait_dma2 semaphore(%dma_wait3A_845 : memref<!tpu.dma_semaphore, #tpu.memory_space<semaphore_mem>>) src(%dma_wait3A_852 : memref<8x2048xf32, #tpu.memory_space<vmem>>) dst(%dma_wait3A_848 : memref<8x2048xf32, #tpu.memory_space<hbm>>)
      } else {
      }
      %mul3A_472 = arith.constant 8 : i32
      %mul3A_473 = arith.muli %add3A_466, %mul3A_472 : i32
      %multiple_of3A_474 = tpu.assume_multiple %mul3A_473, 8 : i32
      %dma_start3A_475 = arith.constant 1 : i32
      %dma_start3A_476 = arith.constant 1 : i32
      %dma_start3A_477 = arith.constant 0 : i32
      %dma_start3A_478 = arith.constant 0 : i32
      %dma_start3A_479 = tpu.memref_slice %arg6[%dma_start3A_475, %dma_start3A_477, %dma_start3A_478] : memref<6x8x2048xf32, #tpu.memory_space<vmem>> -> memref<1x8x2048xf32, #tpu.memory_space<vmem>>
      %dma_start3A_480 = tpu.memref_squeeze %dma_start3A_479 : memref<1x8x2048xf32, #tpu.memory_space<vmem>> -> memref<8x2048xf32, #tpu.memory_space<vmem>>
      %dma_start3A_481 = tpu.memref_slice %arg5[%multiple_of3A_474] : memref<512xi32, #tpu.memory_space<vmem>> -> memref<8xi32, #tpu.memory_space<vmem>>
      %dma_start3A_482 = arith.constant 0 : i32
      %dma_start3A_483 = arith.constant 0 : i32
      %dma_start3A_484 = tpu.memref_slice %arg3[%dma_start3A_482, %dma_start3A_483] : memref<151936x2048xf32, #tpu.memory_space<hbm>> -> memref<151936x2048xf32, #tpu.memory_space<hbm>>
      %dma_start3A_485 = tpu.memref_slice %arg7[%dma_start3A_476] : memref<6x!tpu.dma_semaphore, #tpu.memory_space<semaphore_mem>> -> memref<1x!tpu.dma_semaphore, #tpu.memory_space<semaphore_mem>>
      %dma_start3A_486 = tpu.memref_squeeze %dma_start3A_485 : memref<1x!tpu.dma_semaphore, #tpu.memory_space<semaphore_mem>> -> memref<!tpu.dma_semaphore, #tpu.memory_space<semaphore_mem>>
      tpu.enqueue_indirect_dma source(%dma_start3A_484 : memref<151936x2048xf32, #tpu.memory_space<hbm>>) target(%dma_start3A_480 : memref<8x2048xf32, #tpu.memory_space<vmem>>) offsets(%dma_start3A_481 : memref<8xi32, #tpu.memory_space<vmem>>) semaphore(%dma_start3A_486 : memref<!tpu.dma_semaphore, #tpu.memory_space<semaphore_mem>>)
      %mul3A_487 = arith.constant 6 : i32
      %mul3A_488 = arith.muli %scan3A_441, %mul3A_487 : i32
      %add3A_489 = arith.constant 2 : i32
      %add3A_490 = arith.addi %mul3A_488, %add3A_489 : i32
      %gt3A_491 = arith.constant 0 : i32
      %gt3A_492 = arith.cmpi sgt, %scan3A_441, %gt3A_491 : i32
      %convert_element_type3A_493 = arith.extui %gt3A_492 : i1 to i32
      %cond3A_494 = arith.constant 0 : i32
      %cond3A_495 = arith.cmpi ne, %convert_element_type3A_493, %cond3A_494 : i32
      scf.if %cond3A_495 {
        %sub3A_829 = arith.constant 6 : i32
        %sub3A_830 = arith.subi %add3A_490, %sub3A_829 : i32
        %mul3A_831 = arith.constant 8 : i32
        %mul3A_832 = arith.muli %sub3A_830, %mul3A_831 : i32
        %multiple_of3A_833 = tpu.assume_multiple %mul3A_832, 8 : i32
        %add3A_834 = arith.addi %mul3A_32, %multiple_of3A_833 : i32
        %dma_wait3A_835 = arith.constant 2 : i32
        %dma_wait3A_836 = arith.constant 2 : i32
        %dma_wait3A_837 = arith.constant 0 : i32
        %dma_wait3A_838 = arith.constant 0 : i32
        %dma_wait3A_839 = tpu.memref_slice %arg6[%dma_wait3A_835, %dma_wait3A_837, %dma_wait3A_838] : memref<6x8x2048xf32, #tpu.memory_space<vmem>> -> memref<1x8x2048xf32, #tpu.memory_space<vmem>>
        %dma_wait3A_840 = tpu.memref_squeeze %dma_wait3A_839 : memref<1x8x2048xf32, #tpu.memory_space<vmem>> -> memref<8x2048xf32, #tpu.memory_space<vmem>>
        %dma_wait3A_841 = arith.constant 0 : i32
        %dma_wait3A_842 = tpu.memref_slice %arg4[%select_n3A, %add3A_834, %dma_wait3A_841] : memref<4x4096x2048xf32, #tpu.memory_space<hbm>> -> memref<1x8x2048xf32, #tpu.memory_space<hbm>>
        %dma_wait3A_843 = tpu.memref_squeeze %dma_wait3A_842 : memref<1x8x2048xf32, #tpu.memory_space<hbm>> -> memref<8x2048xf32, #tpu.memory_space<hbm>>
        %dma_wait3A_844 = tpu.memref_slice %arg8[%dma_wait3A_836] : memref<6x!tpu.dma_semaphore, #tpu.memory_space<semaphore_mem>> -> memref<1x!tpu.dma_semaphore, #tpu.memory_space<semaphore_mem>>
        %dma_wait3A_845 = tpu.memref_squeeze %dma_wait3A_844 : memref<1x!tpu.dma_semaphore, #tpu.memory_space<semaphore_mem>> -> memref<!tpu.dma_semaphore, #tpu.memory_space<semaphore_mem>>
        %dma_wait3A_846 = arith.constant 0 : i32
        %dma_wait3A_847 = tpu.memref_slice %arg4[%select_n3A, %add3A_834, %dma_wait3A_846] : memref<4x4096x2048xf32, #tpu.memory_space<hbm>> -> memref<1x8x2048xf32, #tpu.memory_space<hbm>>
        %dma_wait3A_848 = tpu.memref_squeeze %dma_wait3A_847 : memref<1x8x2048xf32, #tpu.memory_space<hbm>> -> memref<8x2048xf32, #tpu.memory_space<hbm>>
        %dma_wait3A_849 = arith.constant 0 : i32
        %dma_wait3A_850 = arith.constant 0 : i32
        %dma_wait3A_851 = tpu.memref_slice %arg6[%dma_wait3A_835, %dma_wait3A_849, %dma_wait3A_850] : memref<6x8x2048xf32, #tpu.memory_space<vmem>> -> memref<1x8x2048xf32, #tpu.memory_space<vmem>>
        %dma_wait3A_852 = tpu.memref_squeeze %dma_wait3A_851 : memref<1x8x2048xf32, #tpu.memory_space<vmem>> -> memref<8x2048xf32, #tpu.memory_space<vmem>>
        tpu.wait_dma2 semaphore(%dma_wait3A_845 : memref<!tpu.dma_semaphore, #tpu.memory_space<semaphore_mem>>) src(%dma_wait3A_852 : memref<8x2048xf32, #tpu.memory_space<vmem>>) dst(%dma_wait3A_848 : memref<8x2048xf32, #tpu.memory_space<hbm>>)
      } else {
      }
      %mul3A_496 = arith.constant 8 : i32
      %mul3A_497 = arith.muli %add3A_490, %mul3A_496 : i32
      %multiple_of3A_498 = tpu.assume_multiple %mul3A_497, 8 : i32
      %dma_start3A_499 = arith.constant 2 : i32
      %dma_start3A_500 = arith.constant 2 : i32
      %dma_start3A_501 = arith.constant 0 : i32
      %dma_start3A_502 = arith.constant 0 : i32
      %dma_start3A_503 = tpu.memref_slice %arg6[%dma_start3A_499, %dma_start3A_501, %dma_start3A_502] : memref<6x8x2048xf32, #tpu.memory_space<vmem>> -> memref<1x8x2048xf32, #tpu.memory_space<vmem>>
      %dma_start3A_504 = tpu.memref_squeeze %dma_start3A_503 : memref<1x8x2048xf32, #tpu.memory_space<vmem>> -> memref<8x2048xf32, #tpu.memory_space<vmem>>
      %dma_start3A_505 = tpu.memref_slice %arg5[%multiple_of3A_498] : memref<512xi32, #tpu.memory_space<vmem>> -> memref<8xi32, #tpu.memory_space<vmem>>
      %dma_start3A_506 = arith.constant 0 : i32
      %dma_start3A_507 = arith.constant 0 : i32
      %dma_start3A_508 = tpu.memref_slice %arg3[%dma_start3A_506, %dma_start3A_507] : memref<151936x2048xf32, #tpu.memory_space<hbm>> -> memref<151936x2048xf32, #tpu.memory_space<hbm>>
      %dma_start3A_509 = tpu.memref_slice %arg7[%dma_start3A_500] : memref<6x!tpu.dma_semaphore, #tpu.memory_space<semaphore_mem>> -> memref<1x!tpu.dma_semaphore, #tpu.memory_space<semaphore_mem>>
      %dma_start3A_510 = tpu.memref_squeeze %dma_start3A_509 : memref<1x!tpu.dma_semaphore, #tpu.memory_space<semaphore_mem>> -> memref<!tpu.dma_semaphore, #tpu.memory_space<semaphore_mem>>
      tpu.enqueue_indirect_dma source(%dma_start3A_508 : memref<151936x2048xf32, #tpu.memory_space<hbm>>) target(%dma_start3A_504 : memref<8x2048xf32, #tpu.memory_space<vmem>>) offsets(%dma_start3A_505 : memref<8xi32, #tpu.memory_space<vmem>>) semaphore(%dma_start3A_510 : memref<!tpu.dma_semaphore, #tpu.memory_space<semaphore_mem>>)
      %mul3A_511 = arith.constant 6 : i32
      %mul3A_512 = arith.muli %scan3A_441, %mul3A_511 : i32
      %add3A_513 = arith.constant 3 : i32
      %add3A_514 = arith.addi %mul3A_512, %add3A_513 : i32
      %gt3A_515 = arith.constant 0 : i32
      %gt3A_516 = arith.cmpi sgt, %scan3A_441, %gt3A_515 : i32
      %convert_element_type3A_517 = arith.extui %gt3A_516 : i1 to i32
      %cond3A_518 = arith.constant 0 : i32
      %cond3A_519 = arith.cmpi ne, %convert_element_type3A_517, %cond3A_518 : i32
      scf.if %cond3A_519 {
        %sub3A_829 = arith.constant 6 : i32
        %sub3A_830 = arith.subi %add3A_514, %sub3A_829 : i32
        %mul3A_831 = arith.constant 8 : i32
        %mul3A_832 = arith.muli %sub3A_830, %mul3A_831 : i32
        %multiple_of3A_833 = tpu.assume_multiple %mul3A_832, 8 : i32
        %add3A_834 = arith.addi %mul3A_32, %multiple_of3A_833 : i32
        %dma_wait3A_835 = arith.constant 3 : i32
        %dma_wait3A_836 = arith.constant 3 : i32
        %dma_wait3A_837 = arith.constant 0 : i32
        %dma_wait3A_838 = arith.constant 0 : i32
        %dma_wait3A_839 = tpu.memref_slice %arg6[%dma_wait3A_835, %dma_wait3A_837, %dma_wait3A_838] : memref<6x8x2048xf32, #tpu.memory_space<vmem>> -> memref<1x8x2048xf32, #tpu.memory_space<vmem>>
        %dma_wait3A_840 = tpu.memref_squeeze %dma_wait3A_839 : memref<1x8x2048xf32, #tpu.memory_space<vmem>> -> memref<8x2048xf32, #tpu.memory_space<vmem>>
        %dma_wait3A_841 = arith.constant 0 : i32
        %dma_wait3A_842 = tpu.memref_slice %arg4[%select_n3A, %add3A_834, %dma_wait3A_841] : memref<4x4096x2048xf32, #tpu.memory_space<hbm>> -> memref<1x8x2048xf32, #tpu.memory_space<hbm>>
        %dma_wait3A_843 = tpu.memref_squeeze %dma_wait3A_842 : memref<1x8x2048xf32, #tpu.memory_space<hbm>> -> memref<8x2048xf32, #tpu.memory_space<hbm>>
        %dma_wait3A_844 = tpu.memref_slice %arg8[%dma_wait3A_836] : memref<6x!tpu.dma_semaphore, #tpu.memory_space<semaphore_mem>> -> memref<1x!tpu.dma_semaphore, #tpu.memory_space<semaphore_mem>>
        %dma_wait3A_845 = tpu.memref_squeeze %dma_wait3A_844 : memref<1x!tpu.dma_semaphore, #tpu.memory_space<semaphore_mem>> -> memref<!tpu.dma_semaphore, #tpu.memory_space<semaphore_mem>>
        %dma_wait3A_846 = arith.constant 0 : i32
        %dma_wait3A_847 = tpu.memref_slice %arg4[%select_n3A, %add3A_834, %dma_wait3A_846] : memref<4x4096x2048xf32, #tpu.memory_space<hbm>> -> memref<1x8x2048xf32, #tpu.memory_space<hbm>>
        %dma_wait3A_848 = tpu.memref_squeeze %dma_wait3A_847 : memref<1x8x2048xf32, #tpu.memory_space<hbm>> -> memref<8x2048xf32, #tpu.memory_space<hbm>>
        %dma_wait3A_849 = arith.constant 0 : i32
        %dma_wait3A_850 = arith.constant 0 : i32
        %dma_wait3A_851 = tpu.memref_slice %arg6[%dma_wait3A_835, %dma_wait3A_849, %dma_wait3A_850] : memref<6x8x2048xf32, #tpu.memory_space<vmem>> -> memref<1x8x2048xf32, #tpu.memory_space<vmem>>
        %dma_wait3A_852 = tpu.memref_squeeze %dma_wait3A_851 : memref<1x8x2048xf32, #tpu.memory_space<vmem>> -> memref<8x2048xf32, #tpu.memory_space<vmem>>
        tpu.wait_dma2 semaphore(%dma_wait3A_845 : memref<!tpu.dma_semaphore, #tpu.memory_space<semaphore_mem>>) src(%dma_wait3A_852 : memref<8x2048xf32, #tpu.memory_space<vmem>>) dst(%dma_wait3A_848 : memref<8x2048xf32, #tpu.memory_space<hbm>>)
      } else {
      }
      %mul3A_520 = arith.constant 8 : i32
      %mul3A_521 = arith.muli %add3A_514, %mul3A_520 : i32
      %multiple_of3A_522 = tpu.assume_multiple %mul3A_521, 8 : i32
      %dma_start3A_523 = arith.constant 3 : i32
      %dma_start3A_524 = arith.constant 3 : i32
      %dma_start3A_525 = arith.constant 0 : i32
      %dma_start3A_526 = arith.constant 0 : i32
      %dma_start3A_527 = tpu.memref_slice %arg6[%dma_start3A_523, %dma_start3A_525, %dma_start3A_526] : memref<6x8x2048xf32, #tpu.memory_space<vmem>> -> memref<1x8x2048xf32, #tpu.memory_space<vmem>>
      %dma_start3A_528 = tpu.memref_squeeze %dma_start3A_527 : memref<1x8x2048xf32, #tpu.memory_space<vmem>> -> memref<8x2048xf32, #tpu.memory_space<vmem>>
      %dma_start3A_529 = tpu.memref_slice %arg5[%multiple_of3A_522] : memref<512xi32, #tpu.memory_space<vmem>> -> memref<8xi32, #tpu.memory_space<vmem>>
      %dma_start3A_530 = arith.constant 0 : i32
      %dma_start3A_531 = arith.constant 0 : i32
      %dma_start3A_532 = tpu.memref_slice %arg3[%dma_start3A_530, %dma_start3A_531] : memref<151936x2048xf32, #tpu.memory_space<hbm>> -> memref<151936x2048xf32, #tpu.memory_space<hbm>>
      %dma_start3A_533 = tpu.memref_slice %arg7[%dma_start3A_524] : memref<6x!tpu.dma_semaphore, #tpu.memory_space<semaphore_mem>> -> memref<1x!tpu.dma_semaphore, #tpu.memory_space<semaphore_mem>>
      %dma_start3A_534 = tpu.memref_squeeze %dma_start3A_533 : memref<1x!tpu.dma_semaphore, #tpu.memory_space<semaphore_mem>> -> memref<!tpu.dma_semaphore, #tpu.memory_space<semaphore_mem>>
      tpu.enqueue_indirect_dma source(%dma_start3A_532 : memref<151936x2048xf32, #tpu.memory_space<hbm>>) target(%dma_start3A_528 : memref<8x2048xf32, #tpu.memory_space<vmem>>) offsets(%dma_start3A_529 : memref<8xi32, #tpu.memory_space<vmem>>) semaphore(%dma_start3A_534 : memref<!tpu.dma_semaphore, #tpu.memory_space<semaphore_mem>>)
      %mul3A_535 = arith.constant 6 : i32
      %mul3A_536 = arith.muli %scan3A_441, %mul3A_535 : i32
      %add3A_537 = arith.constant 4 : i32
      %add3A_538 = arith.addi %mul3A_536, %add3A_537 : i32
      %gt3A_539 = arith.constant 0 : i32
      %gt3A_540 = arith.cmpi sgt, %scan3A_441, %gt3A_539 : i32
      %convert_element_type3A_541 = arith.extui %gt3A_540 : i1 to i32
      %cond3A_542 = arith.constant 0 : i32
      %cond3A_543 = arith.cmpi ne, %convert_element_type3A_541, %cond3A_542 : i32
      scf.if %cond3A_543 {
        %sub3A_829 = arith.constant 6 : i32
        %sub3A_830 = arith.subi %add3A_538, %sub3A_829 : i32
        %mul3A_831 = arith.constant 8 : i32
        %mul3A_832 = arith.muli %sub3A_830, %mul3A_831 : i32
        %multiple_of3A_833 = tpu.assume_multiple %mul3A_832, 8 : i32
        %add3A_834 = arith.addi %mul3A_32, %multiple_of3A_833 : i32
        %dma_wait3A_835 = arith.constant 4 : i32
        %dma_wait3A_836 = arith.constant 4 : i32
        %dma_wait3A_837 = arith.constant 0 : i32
        %dma_wait3A_838 = arith.constant 0 : i32
        %dma_wait3A_839 = tpu.memref_slice %arg6[%dma_wait3A_835, %dma_wait3A_837, %dma_wait3A_838] : memref<6x8x2048xf32, #tpu.memory_space<vmem>> -> memref<1x8x2048xf32, #tpu.memory_space<vmem>>
        %dma_wait3A_840 = tpu.memref_squeeze %dma_wait3A_839 : memref<1x8x2048xf32, #tpu.memory_space<vmem>> -> memref<8x2048xf32, #tpu.memory_space<vmem>>
        %dma_wait3A_841 = arith.constant 0 : i32
        %dma_wait3A_842 = tpu.memref_slice %arg4[%select_n3A, %add3A_834, %dma_wait3A_841] : memref<4x4096x2048xf32, #tpu.memory_space<hbm>> -> memref<1x8x2048xf32, #tpu.memory_space<hbm>>
        %dma_wait3A_843 = tpu.memref_squeeze %dma_wait3A_842 : memref<1x8x2048xf32, #tpu.memory_space<hbm>> -> memref<8x2048xf32, #tpu.memory_space<hbm>>
        %dma_wait3A_844 = tpu.memref_slice %arg8[%dma_wait3A_836] : memref<6x!tpu.dma_semaphore, #tpu.memory_space<semaphore_mem>> -> memref<1x!tpu.dma_semaphore, #tpu.memory_space<semaphore_mem>>
        %dma_wait3A_845 = tpu.memref_squeeze %dma_wait3A_844 : memref<1x!tpu.dma_semaphore, #tpu.memory_space<semaphore_mem>> -> memref<!tpu.dma_semaphore, #tpu.memory_space<semaphore_mem>>
        %dma_wait3A_846 = arith.constant 0 : i32
        %dma_wait3A_847 = tpu.memref_slice %arg4[%select_n3A, %add3A_834, %dma_wait3A_846] : memref<4x4096x2048xf32, #tpu.memory_space<hbm>> -> memref<1x8x2048xf32, #tpu.memory_space<hbm>>
        %dma_wait3A_848 = tpu.memref_squeeze %dma_wait3A_847 : memref<1x8x2048xf32, #tpu.memory_space<hbm>> -> memref<8x2048xf32, #tpu.memory_space<hbm>>
        %dma_wait3A_849 = arith.constant 0 : i32
        %dma_wait3A_850 = arith.constant 0 : i32
        %dma_wait3A_851 = tpu.memref_slice %arg6[%dma_wait3A_835, %dma_wait3A_849, %dma_wait3A_850] : memref<6x8x2048xf32, #tpu.memory_space<vmem>> -> memref<1x8x2048xf32, #tpu.memory_space<vmem>>
        %dma_wait3A_852 = tpu.memref_squeeze %dma_wait3A_851 : memref<1x8x2048xf32, #tpu.memory_space<vmem>> -> memref<8x2048xf32, #tpu.memory_space<vmem>>
        tpu.wait_dma2 semaphore(%dma_wait3A_845 : memref<!tpu.dma_semaphore, #tpu.memory_space<semaphore_mem>>) src(%dma_wait3A_852 : memref<8x2048xf32, #tpu.memory_space<vmem>>) dst(%dma_wait3A_848 : memref<8x2048xf32, #tpu.memory_space<hbm>>)
      } else {
      }
      %mul3A_544 = arith.constant 8 : i32
      %mul3A_545 = arith.muli %add3A_538, %mul3A_544 : i32
      %multiple_of3A_546 = tpu.assume_multiple %mul3A_545, 8 : i32
      %dma_start3A_547 = arith.constant 4 : i32
      %dma_start3A_548 = arith.constant 4 : i32
      %dma_start3A_549 = arith.constant 0 : i32
      %dma_start3A_550 = arith.constant 0 : i32
      %dma_start3A_551 = tpu.memref_slice %arg6[%dma_start3A_547, %dma_start3A_549, %dma_start3A_550] : memref<6x8x2048xf32, #tpu.memory_space<vmem>> -> memref<1x8x2048xf32, #tpu.memory_space<vmem>>
      %dma_start3A_552 = tpu.memref_squeeze %dma_start3A_551 : memref<1x8x2048xf32, #tpu.memory_space<vmem>> -> memref<8x2048xf32, #tpu.memory_space<vmem>>
      %dma_start3A_553 = tpu.memref_slice %arg5[%multiple_of3A_546] : memref<512xi32, #tpu.memory_space<vmem>> -> memref<8xi32, #tpu.memory_space<vmem>>
      %dma_start3A_554 = arith.constant 0 : i32
      %dma_start3A_555 = arith.constant 0 : i32
      %dma_start3A_556 = tpu.memref_slice %arg3[%dma_start3A_554, %dma_start3A_555] : memref<151936x2048xf32, #tpu.memory_space<hbm>> -> memref<151936x2048xf32, #tpu.memory_space<hbm>>
      %dma_start3A_557 = tpu.memref_slice %arg7[%dma_start3A_548] : memref<6x!tpu.dma_semaphore, #tpu.memory_space<semaphore_mem>> -> memref<1x!tpu.dma_semaphore, #tpu.memory_space<semaphore_mem>>
      %dma_start3A_558 = tpu.memref_squeeze %dma_start3A_557 : memref<1x!tpu.dma_semaphore, #tpu.memory_space<semaphore_mem>> -> memref<!tpu.dma_semaphore, #tpu.memory_space<semaphore_mem>>
      tpu.enqueue_indirect_dma source(%dma_start3A_556 : memref<151936x2048xf32, #tpu.memory_space<hbm>>) target(%dma_start3A_552 : memref<8x2048xf32, #tpu.memory_space<vmem>>) offsets(%dma_start3A_553 : memref<8xi32, #tpu.memory_space<vmem>>) semaphore(%dma_start3A_558 : memref<!tpu.dma_semaphore, #tpu.memory_space<semaphore_mem>>)
      %mul3A_559 = arith.constant 6 : i32
      %mul3A_560 = arith.muli %scan3A_441, %mul3A_559 : i32
      %add3A_561 = arith.constant 5 : i32
      %add3A_562 = arith.addi %mul3A_560, %add3A_561 : i32
      %gt3A_563 = arith.constant 0 : i32
      %gt3A_564 = arith.cmpi sgt, %scan3A_441, %gt3A_563 : i32
      %convert_element_type3A_565 = arith.extui %gt3A_564 : i1 to i32
      %cond3A_566 = arith.constant 0 : i32
      %cond3A_567 = arith.cmpi ne, %convert_element_type3A_565, %cond3A_566 : i32
      scf.if %cond3A_567 {
        %sub3A_829 = arith.constant 6 : i32
        %sub3A_830 = arith.subi %add3A_562, %sub3A_829 : i32
        %mul3A_831 = arith.constant 8 : i32
        %mul3A_832 = arith.muli %sub3A_830, %mul3A_831 : i32
        %multiple_of3A_833 = tpu.assume_multiple %mul3A_832, 8 : i32
        %add3A_834 = arith.addi %mul3A_32, %multiple_of3A_833 : i32
        %dma_wait3A_835 = arith.constant 5 : i32
        %dma_wait3A_836 = arith.constant 5 : i32
        %dma_wait3A_837 = arith.constant 0 : i32
        %dma_wait3A_838 = arith.constant 0 : i32
        %dma_wait3A_839 = tpu.memref_slice %arg6[%dma_wait3A_835, %dma_wait3A_837, %dma_wait3A_838] : memref<6x8x2048xf32, #tpu.memory_space<vmem>> -> memref<1x8x2048xf32, #tpu.memory_space<vmem>>
        %dma_wait3A_840 = tpu.memref_squeeze %dma_wait3A_839 : memref<1x8x2048xf32, #tpu.memory_space<vmem>> -> memref<8x2048xf32, #tpu.memory_space<vmem>>
        %dma_wait3A_841 = arith.constant 0 : i32
        %dma_wait3A_842 = tpu.memref_slice %arg4[%select_n3A, %add3A_834, %dma_wait3A_841] : memref<4x4096x2048xf32, #tpu.memory_space<hbm>> -> memref<1x8x2048xf32, #tpu.memory_space<hbm>>
        %dma_wait3A_843 = tpu.memref_squeeze %dma_wait3A_842 : memref<1x8x2048xf32, #tpu.memory_space<hbm>> -> memref<8x2048xf32, #tpu.memory_space<hbm>>
        %dma_wait3A_844 = tpu.memref_slice %arg8[%dma_wait3A_836] : memref<6x!tpu.dma_semaphore, #tpu.memory_space<semaphore_mem>> -> memref<1x!tpu.dma_semaphore, #tpu.memory_space<semaphore_mem>>
        %dma_wait3A_845 = tpu.memref_squeeze %dma_wait3A_844 : memref<1x!tpu.dma_semaphore, #tpu.memory_space<semaphore_mem>> -> memref<!tpu.dma_semaphore, #tpu.memory_space<semaphore_mem>>
        %dma_wait3A_846 = arith.constant 0 : i32
        %dma_wait3A_847 = tpu.memref_slice %arg4[%select_n3A, %add3A_834, %dma_wait3A_846] : memref<4x4096x2048xf32, #tpu.memory_space<hbm>> -> memref<1x8x2048xf32, #tpu.memory_space<hbm>>
        %dma_wait3A_848 = tpu.memref_squeeze %dma_wait3A_847 : memref<1x8x2048xf32, #tpu.memory_space<hbm>> -> memref<8x2048xf32, #tpu.memory_space<hbm>>
        %dma_wait3A_849 = arith.constant 0 : i32
        %dma_wait3A_850 = arith.constant 0 : i32
        %dma_wait3A_851 = tpu.memref_slice %arg6[%dma_wait3A_835, %dma_wait3A_849, %dma_wait3A_850] : memref<6x8x2048xf32, #tpu.memory_space<vmem>> -> memref<1x8x2048xf32, #tpu.memory_space<vmem>>
        %dma_wait3A_852 = tpu.memref_squeeze %dma_wait3A_851 : memref<1x8x2048xf32, #tpu.memory_space<vmem>> -> memref<8x2048xf32, #tpu.memory_space<vmem>>
        tpu.wait_dma2 semaphore(%dma_wait3A_845 : memref<!tpu.dma_semaphore, #tpu.memory_space<semaphore_mem>>) src(%dma_wait3A_852 : memref<8x2048xf32, #tpu.memory_space<vmem>>) dst(%dma_wait3A_848 : memref<8x2048xf32, #tpu.memory_space<hbm>>)
      } else {
      }
      %mul3A_568 = arith.constant 8 : i32
      %mul3A_569 = arith.muli %add3A_562, %mul3A_568 : i32
      %multiple_of3A_570 = tpu.assume_multiple %mul3A_569, 8 : i32
      %dma_start3A_571 = arith.constant 5 : i32
      %dma_start3A_572 = arith.constant 5 : i32
      %dma_start3A_573 = arith.constant 0 : i32
      %dma_start3A_574 = arith.constant 0 : i32
      %dma_start3A_575 = tpu.memref_slice %arg6[%dma_start3A_571, %dma_start3A_573, %dma_start3A_574] : memref<6x8x2048xf32, #tpu.memory_space<vmem>> -> memref<1x8x2048xf32, #tpu.memory_space<vmem>>
      %dma_start3A_576 = tpu.memref_squeeze %dma_start3A_575 : memref<1x8x2048xf32, #tpu.memory_space<vmem>> -> memref<8x2048xf32, #tpu.memory_space<vmem>>
      %dma_start3A_577 = tpu.memref_slice %arg5[%multiple_of3A_570] : memref<512xi32, #tpu.memory_space<vmem>> -> memref<8xi32, #tpu.memory_space<vmem>>
      %dma_start3A_578 = arith.constant 0 : i32
      %dma_start3A_579 = arith.constant 0 : i32
      %dma_start3A_580 = tpu.memref_slice %arg3[%dma_start3A_578, %dma_start3A_579] : memref<151936x2048xf32, #tpu.memory_space<hbm>> -> memref<151936x2048xf32, #tpu.memory_space<hbm>>
      %dma_start3A_581 = tpu.memref_slice %arg7[%dma_start3A_572] : memref<6x!tpu.dma_semaphore, #tpu.memory_space<semaphore_mem>> -> memref<1x!tpu.dma_semaphore, #tpu.memory_space<semaphore_mem>>
      %dma_start3A_582 = tpu.memref_squeeze %dma_start3A_581 : memref<1x!tpu.dma_semaphore, #tpu.memory_space<semaphore_mem>> -> memref<!tpu.dma_semaphore, #tpu.memory_space<semaphore_mem>>
      tpu.enqueue_indirect_dma source(%dma_start3A_580 : memref<151936x2048xf32, #tpu.memory_space<hbm>>) target(%dma_start3A_576 : memref<8x2048xf32, #tpu.memory_space<vmem>>) offsets(%dma_start3A_577 : memref<8xi32, #tpu.memory_space<vmem>>) semaphore(%dma_start3A_582 : memref<!tpu.dma_semaphore, #tpu.memory_space<semaphore_mem>>)
      %mul3A_583 = arith.constant 6 : i32
      %mul3A_584 = arith.muli %scan3A_441, %mul3A_583 : i32
      %add3A_585 = arith.constant 0 : i32
      %add3A_586 = arith.addi %mul3A_584, %add3A_585 : i32
      %mul3A_587 = arith.constant 8 : i32
      %mul3A_588 = arith.muli %add3A_586, %mul3A_587 : i32
      %multiple_of3A_589 = tpu.assume_multiple %mul3A_588, 8 : i32
      %dma_wait3A_590 = arith.constant 0 : i32
      %dma_wait3A_591 = arith.constant 0 : i32
      %dma_wait3A_592 = arith.constant 0 : i32
      %dma_wait3A_593 = arith.constant 0 : i32
      %dma_wait3A_594 = tpu.memref_slice %arg6[%dma_wait3A_590, %dma_wait3A_592, %dma_wait3A_593] : memref<6x8x2048xf32, #tpu.memory_space<vmem>> -> memref<1x8x2048xf32, #tpu.memory_space<vmem>>
      %dma_wait3A_595 = tpu.memref_squeeze %dma_wait3A_594 : memref<1x8x2048xf32, #tpu.memory_space<vmem>> -> memref<8x2048xf32, #tpu.memory_space<vmem>>
      %dma_wait3A_596 = tpu.memref_slice %arg5[%multiple_of3A_589] : memref<512xi32, #tpu.memory_space<vmem>> -> memref<8xi32, #tpu.memory_space<vmem>>
      %dma_wait3A_597 = arith.constant 0 : i32
      %dma_wait3A_598 = arith.constant 0 : i32
      %dma_wait3A_599 = tpu.memref_slice %arg3[%dma_wait3A_597, %dma_wait3A_598] : memref<151936x2048xf32, #tpu.memory_space<hbm>> -> memref<151936x2048xf32, #tpu.memory_space<hbm>>
      %dma_wait3A_600 = tpu.memref_slice %arg7[%dma_wait3A_591] : memref<6x!tpu.dma_semaphore, #tpu.memory_space<semaphore_mem>> -> memref<1x!tpu.dma_semaphore, #tpu.memory_space<semaphore_mem>>
      %dma_wait3A_601 = tpu.memref_squeeze %dma_wait3A_600 : memref<1x!tpu.dma_semaphore, #tpu.memory_space<semaphore_mem>> -> memref<!tpu.dma_semaphore, #tpu.memory_space<semaphore_mem>>
      tpu.wait_indirect_dma semaphore(%dma_wait3A_601 : memref<!tpu.dma_semaphore, #tpu.memory_space<semaphore_mem>>) src(%dma_wait3A_599 : memref<151936x2048xf32, #tpu.memory_space<hbm>>) dst(%dma_wait3A_595 : memref<8x2048xf32, #tpu.memory_space<vmem>>)
      %mul3A_602 = arith.constant 8 : i32
      %mul3A_603 = arith.muli %add3A_586, %mul3A_602 : i32
      %multiple_of3A_604 = tpu.assume_multiple %mul3A_603, 8 : i32
      %add3A_605 = arith.addi %mul3A_32, %multiple_of3A_604 : i32
      %dma_start3A_606 = arith.constant 0 : i32
      %dma_start3A_607 = arith.constant 0 : i32
      %dma_start3A_608 = arith.constant 0 : i32
      %dma_start3A_609 = arith.constant 0 : i32
      %dma_start3A_610 = tpu.memref_slice %arg6[%dma_start3A_606, %dma_start3A_608, %dma_start3A_609] : memref<6x8x2048xf32, #tpu.memory_space<vmem>> -> memref<1x8x2048xf32, #tpu.memory_space<vmem>>
      %dma_start3A_611 = tpu.memref_squeeze %dma_start3A_610 : memref<1x8x2048xf32, #tpu.memory_space<vmem>> -> memref<8x2048xf32, #tpu.memory_space<vmem>>
      %dma_start3A_612 = arith.constant 0 : i32
      %dma_start3A_613 = tpu.memref_slice %arg4[%select_n3A, %add3A_605, %dma_start3A_612] : memref<4x4096x2048xf32, #tpu.memory_space<hbm>> -> memref<1x8x2048xf32, #tpu.memory_space<hbm>>
      %dma_start3A_614 = tpu.memref_squeeze %dma_start3A_613 : memref<1x8x2048xf32, #tpu.memory_space<hbm>> -> memref<8x2048xf32, #tpu.memory_space<hbm>>
      %dma_start3A_615 = tpu.memref_slice %arg8[%dma_start3A_607] : memref<6x!tpu.dma_semaphore, #tpu.memory_space<semaphore_mem>> -> memref<1x!tpu.dma_semaphore, #tpu.memory_space<semaphore_mem>>
      %dma_start3A_616 = tpu.memref_squeeze %dma_start3A_615 : memref<1x!tpu.dma_semaphore, #tpu.memory_space<semaphore_mem>> -> memref<!tpu.dma_semaphore, #tpu.memory_space<semaphore_mem>>
      %dma_start3A_617 = arith.constant 0 : i32
      %dma_start3A_618 = tpu.memref_slice %arg4[%select_n3A, %add3A_605, %dma_start3A_617] : memref<4x4096x2048xf32, #tpu.memory_space<hbm>> -> memref<1x8x2048xf32, #tpu.memory_space<hbm>>
      %dma_start3A_619 = tpu.memref_squeeze %dma_start3A_618 : memref<1x8x2048xf32, #tpu.memory_space<hbm>> -> memref<8x2048xf32, #tpu.memory_space<hbm>>
      %dma_start3A_620 = arith.constant 0 : i32
      %dma_start3A_621 = arith.constant 0 : i32
      %dma_start3A_622 = tpu.memref_slice %arg6[%dma_start3A_606, %dma_start3A_620, %dma_start3A_621] : memref<6x8x2048xf32, #tpu.memory_space<vmem>> -> memref<1x8x2048xf32, #tpu.memory_space<vmem>>
      %dma_start3A_623 = tpu.memref_squeeze %dma_start3A_622 : memref<1x8x2048xf32, #tpu.memory_space<vmem>> -> memref<8x2048xf32, #tpu.memory_space<vmem>>
      tpu.enqueue_dma source(%dma_start3A_623 : memref<8x2048xf32, #tpu.memory_space<vmem>>) target(%dma_start3A_619 : memref<8x2048xf32, #tpu.memory_space<hbm>>) target_semaphore(%dma_start3A_616 : memref<!tpu.dma_semaphore, #tpu.memory_space<semaphore_mem>>)
      %mul3A_624 = arith.constant 6 : i32
      %mul3A_625 = arith.muli %scan3A_441, %mul3A_624 : i32
      %add3A_626 = arith.constant 1 : i32
      %add3A_627 = arith.addi %mul3A_625, %add3A_626 : i32
      %mul3A_628 = arith.constant 8 : i32
      %mul3A_629 = arith.muli %add3A_627, %mul3A_628 : i32
      %multiple_of3A_630 = tpu.assume_multiple %mul3A_629, 8 : i32
      %dma_wait3A_631 = arith.constant 1 : i32
      %dma_wait3A_632 = arith.constant 1 : i32
      %dma_wait3A_633 = arith.constant 0 : i32
      %dma_wait3A_634 = arith.constant 0 : i32
      %dma_wait3A_635 = tpu.memref_slice %arg6[%dma_wait3A_631, %dma_wait3A_633, %dma_wait3A_634] : memref<6x8x2048xf32, #tpu.memory_space<vmem>> -> memref<1x8x2048xf32, #tpu.memory_space<vmem>>
      %dma_wait3A_636 = tpu.memref_squeeze %dma_wait3A_635 : memref<1x8x2048xf32, #tpu.memory_space<vmem>> -> memref<8x2048xf32, #tpu.memory_space<vmem>>
      %dma_wait3A_637 = tpu.memref_slice %arg5[%multiple_of3A_630] : memref<512xi32, #tpu.memory_space<vmem>> -> memref<8xi32, #tpu.memory_space<vmem>>
      %dma_wait3A_638 = arith.constant 0 : i32
      %dma_wait3A_639 = arith.constant 0 : i32
      %dma_wait3A_640 = tpu.memref_slice %arg3[%dma_wait3A_638, %dma_wait3A_639] : memref<151936x2048xf32, #tpu.memory_space<hbm>> -> memref<151936x2048xf32, #tpu.memory_space<hbm>>
      %dma_wait3A_641 = tpu.memref_slice %arg7[%dma_wait3A_632] : memref<6x!tpu.dma_semaphore, #tpu.memory_space<semaphore_mem>> -> memref<1x!tpu.dma_semaphore, #tpu.memory_space<semaphore_mem>>
      %dma_wait3A_642 = tpu.memref_squeeze %dma_wait3A_641 : memref<1x!tpu.dma_semaphore, #tpu.memory_space<semaphore_mem>> -> memref<!tpu.dma_semaphore, #tpu.memory_space<semaphore_mem>>
      tpu.wait_indirect_dma semaphore(%dma_wait3A_642 : memref<!tpu.dma_semaphore, #tpu.memory_space<semaphore_mem>>) src(%dma_wait3A_640 : memref<151936x2048xf32, #tpu.memory_space<hbm>>) dst(%dma_wait3A_636 : memref<8x2048xf32, #tpu.memory_space<vmem>>)
      %mul3A_643 = arith.constant 8 : i32
      %mul3A_644 = arith.muli %add3A_627, %mul3A_643 : i32
      %multiple_of3A_645 = tpu.assume_multiple %mul3A_644, 8 : i32
      %add3A_646 = arith.addi %mul3A_32, %multiple_of3A_645 : i32
      %dma_start3A_647 = arith.constant 1 : i32
      %dma_start3A_648 = arith.constant 1 : i32
      %dma_start3A_649 = arith.constant 0 : i32
      %dma_start3A_650 = arith.constant 0 : i32
      %dma_start3A_651 = tpu.memref_slice %arg6[%dma_start3A_647, %dma_start3A_649, %dma_start3A_650] : memref<6x8x2048xf32, #tpu.memory_space<vmem>> -> memref<1x8x2048xf32, #tpu.memory_space<vmem>>
      %dma_start3A_652 = tpu.memref_squeeze %dma_start3A_651 : memref<1x8x2048xf32, #tpu.memory_space<vmem>> -> memref<8x2048xf32, #tpu.memory_space<vmem>>
      %dma_start3A_653 = arith.constant 0 : i32
      %dma_start3A_654 = tpu.memref_slice %arg4[%select_n3A, %add3A_646, %dma_start3A_653] : memref<4x4096x2048xf32, #tpu.memory_space<hbm>> -> memref<1x8x2048xf32, #tpu.memory_space<hbm>>
      %dma_start3A_655 = tpu.memref_squeeze %dma_start3A_654 : memref<1x8x2048xf32, #tpu.memory_space<hbm>> -> memref<8x2048xf32, #tpu.memory_space<hbm>>
      %dma_start3A_656 = tpu.memref_slice %arg8[%dma_start3A_648] : memref<6x!tpu.dma_semaphore, #tpu.memory_space<semaphore_mem>> -> memref<1x!tpu.dma_semaphore, #tpu.memory_space<semaphore_mem>>
      %dma_start3A_657 = tpu.memref_squeeze %dma_start3A_656 : memref<1x!tpu.dma_semaphore, #tpu.memory_space<semaphore_mem>> -> memref<!tpu.dma_semaphore, #tpu.memory_space<semaphore_mem>>
      %dma_start3A_658 = arith.constant 0 : i32
      %dma_start3A_659 = tpu.memref_slice %arg4[%select_n3A, %add3A_646, %dma_start3A_658] : memref<4x4096x2048xf32, #tpu.memory_space<hbm>> -> memref<1x8x2048xf32, #tpu.memory_space<hbm>>
      %dma_start3A_660 = tpu.memref_squeeze %dma_start3A_659 : memref<1x8x2048xf32, #tpu.memory_space<hbm>> -> memref<8x2048xf32, #tpu.memory_space<hbm>>
      %dma_start3A_661 = arith.constant 0 : i32
      %dma_start3A_662 = arith.constant 0 : i32
      %dma_start3A_663 = tpu.memref_slice %arg6[%dma_start3A_647, %dma_start3A_661, %dma_start3A_662] : memref<6x8x2048xf32, #tpu.memory_space<vmem>> -> memref<1x8x2048xf32, #tpu.memory_space<vmem>>
      %dma_start3A_664 = tpu.memref_squeeze %dma_start3A_663 : memref<1x8x2048xf32, #tpu.memory_space<vmem>> -> memref<8x2048xf32, #tpu.memory_space<vmem>>
      tpu.enqueue_dma source(%dma_start3A_664 : memref<8x2048xf32, #tpu.memory_space<vmem>>) target(%dma_start3A_660 : memref<8x2048xf32, #tpu.memory_space<hbm>>) target_semaphore(%dma_start3A_657 : memref<!tpu.dma_semaphore, #tpu.memory_space<semaphore_mem>>)
      %mul3A_665 = arith.constant 6 : i32
      %mul3A_666 = arith.muli %scan3A_441, %mul3A_665 : i32
      %add3A_667 = arith.constant 2 : i32
      %add3A_668 = arith.addi %mul3A_666, %add3A_667 : i32
      %mul3A_669 = arith.constant 8 : i32
      %mul3A_670 = arith.muli %add3A_668, %mul3A_669 : i32
      %multiple_of3A_671 = tpu.assume_multiple %mul3A_670, 8 : i32
      %dma_wait3A_672 = arith.constant 2 : i32
      %dma_wait3A_673 = arith.constant 2 : i32
      %dma_wait3A_674 = arith.constant 0 : i32
      %dma_wait3A_675 = arith.constant 0 : i32
      %dma_wait3A_676 = tpu.memref_slice %arg6[%dma_wait3A_672, %dma_wait3A_674, %dma_wait3A_675] : memref<6x8x2048xf32, #tpu.memory_space<vmem>> -> memref<1x8x2048xf32, #tpu.memory_space<vmem>>
      %dma_wait3A_677 = tpu.memref_squeeze %dma_wait3A_676 : memref<1x8x2048xf32, #tpu.memory_space<vmem>> -> memref<8x2048xf32, #tpu.memory_space<vmem>>
      %dma_wait3A_678 = tpu.memref_slice %arg5[%multiple_of3A_671] : memref<512xi32, #tpu.memory_space<vmem>> -> memref<8xi32, #tpu.memory_space<vmem>>
      %dma_wait3A_679 = arith.constant 0 : i32
      %dma_wait3A_680 = arith.constant 0 : i32
      %dma_wait3A_681 = tpu.memref_slice %arg3[%dma_wait3A_679, %dma_wait3A_680] : memref<151936x2048xf32, #tpu.memory_space<hbm>> -> memref<151936x2048xf32, #tpu.memory_space<hbm>>
      %dma_wait3A_682 = tpu.memref_slice %arg7[%dma_wait3A_673] : memref<6x!tpu.dma_semaphore, #tpu.memory_space<semaphore_mem>> -> memref<1x!tpu.dma_semaphore, #tpu.memory_space<semaphore_mem>>
      %dma_wait3A_683 = tpu.memref_squeeze %dma_wait3A_682 : memref<1x!tpu.dma_semaphore, #tpu.memory_space<semaphore_mem>> -> memref<!tpu.dma_semaphore, #tpu.memory_space<semaphore_mem>>
      tpu.wait_indirect_dma semaphore(%dma_wait3A_683 : memref<!tpu.dma_semaphore, #tpu.memory_space<semaphore_mem>>) src(%dma_wait3A_681 : memref<151936x2048xf32, #tpu.memory_space<hbm>>) dst(%dma_wait3A_677 : memref<8x2048xf32, #tpu.memory_space<vmem>>)
      %mul3A_684 = arith.constant 8 : i32
      %mul3A_685 = arith.muli %add3A_668, %mul3A_684 : i32
      %multiple_of3A_686 = tpu.assume_multiple %mul3A_685, 8 : i32
      %add3A_687 = arith.addi %mul3A_32, %multiple_of3A_686 : i32
      %dma_start3A_688 = arith.constant 2 : i32
      %dma_start3A_689 = arith.constant 2 : i32
      %dma_start3A_690 = arith.constant 0 : i32
      %dma_start3A_691 = arith.constant 0 : i32
      %dma_start3A_692 = tpu.memref_slice %arg6[%dma_start3A_688, %dma_start3A_690, %dma_start3A_691] : memref<6x8x2048xf32, #tpu.memory_space<vmem>> -> memref<1x8x2048xf32, #tpu.memory_space<vmem>>
      %dma_start3A_693 = tpu.memref_squeeze %dma_start3A_692 : memref<1x8x2048xf32, #tpu.memory_space<vmem>> -> memref<8x2048xf32, #tpu.memory_space<vmem>>
      %dma_start3A_694 = arith.constant 0 : i32
      %dma_start3A_695 = tpu.memref_slice %arg4[%select_n3A, %add3A_687, %dma_start3A_694] : memref<4x4096x2048xf32, #tpu.memory_space<hbm>> -> memref<1x8x2048xf32, #tpu.memory_space<hbm>>
      %dma_start3A_696 = tpu.memref_squeeze %dma_start3A_695 : memref<1x8x2048xf32, #tpu.memory_space<hbm>> -> memref<8x2048xf32, #tpu.memory_space<hbm>>
      %dma_start3A_697 = tpu.memref_slice %arg8[%dma_start3A_689] : memref<6x!tpu.dma_semaphore, #tpu.memory_space<semaphore_mem>> -> memref<1x!tpu.dma_semaphore, #tpu.memory_space<semaphore_mem>>
      %dma_start3A_698 = tpu.memref_squeeze %dma_start3A_697 : memref<1x!tpu.dma_semaphore, #tpu.memory_space<semaphore_mem>> -> memref<!tpu.dma_semaphore, #tpu.memory_space<semaphore_mem>>
      %dma_start3A_699 = arith.constant 0 : i32
      %dma_start3A_700 = tpu.memref_slice %arg4[%select_n3A, %add3A_687, %dma_start3A_699] : memref<4x4096x2048xf32, #tpu.memory_space<hbm>> -> memref<1x8x2048xf32, #tpu.memory_space<hbm>>
      %dma_start3A_701 = tpu.memref_squeeze %dma_start3A_700 : memref<1x8x2048xf32, #tpu.memory_space<hbm>> -> memref<8x2048xf32, #tpu.memory_space<hbm>>
      %dma_start3A_702 = arith.constant 0 : i32
      %dma_start3A_703 = arith.constant 0 : i32
      %dma_start3A_704 = tpu.memref_slice %arg6[%dma_start3A_688, %dma_start3A_702, %dma_start3A_703] : memref<6x8x2048xf32, #tpu.memory_space<vmem>> -> memref<1x8x2048xf32, #tpu.memory_space<vmem>>
      %dma_start3A_705 = tpu.memref_squeeze %dma_start3A_704 : memref<1x8x2048xf32, #tpu.memory_space<vmem>> -> memref<8x2048xf32, #tpu.memory_space<vmem>>
      tpu.enqueue_dma source(%dma_start3A_705 : memref<8x2048xf32, #tpu.memory_space<vmem>>) target(%dma_start3A_701 : memref<8x2048xf32, #tpu.memory_space<hbm>>) target_semaphore(%dma_start3A_698 : memref<!tpu.dma_semaphore, #tpu.memory_space<semaphore_mem>>)
      %mul3A_706 = arith.constant 6 : i32
      %mul3A_707 = arith.muli %scan3A_441, %mul3A_706 : i32
      %add3A_708 = arith.constant 3 : i32
      %add3A_709 = arith.addi %mul3A_707, %add3A_708 : i32
      %mul3A_710 = arith.constant 8 : i32
      %mul3A_711 = arith.muli %add3A_709, %mul3A_710 : i32
      %multiple_of3A_712 = tpu.assume_multiple %mul3A_711, 8 : i32
      %dma_wait3A_713 = arith.constant 3 : i32
      %dma_wait3A_714 = arith.constant 3 : i32
      %dma_wait3A_715 = arith.constant 0 : i32
      %dma_wait3A_716 = arith.constant 0 : i32
      %dma_wait3A_717 = tpu.memref_slice %arg6[%dma_wait3A_713, %dma_wait3A_715, %dma_wait3A_716] : memref<6x8x2048xf32, #tpu.memory_space<vmem>> -> memref<1x8x2048xf32, #tpu.memory_space<vmem>>
      %dma_wait3A_718 = tpu.memref_squeeze %dma_wait3A_717 : memref<1x8x2048xf32, #tpu.memory_space<vmem>> -> memref<8x2048xf32, #tpu.memory_space<vmem>>
      %dma_wait3A_719 = tpu.memref_slice %arg5[%multiple_of3A_712] : memref<512xi32, #tpu.memory_space<vmem>> -> memref<8xi32, #tpu.memory_space<vmem>>
      %dma_wait3A_720 = arith.constant 0 : i32
      %dma_wait3A_721 = arith.constant 0 : i32
      %dma_wait3A_722 = tpu.memref_slice %arg3[%dma_wait3A_720, %dma_wait3A_721] : memref<151936x2048xf32, #tpu.memory_space<hbm>> -> memref<151936x2048xf32, #tpu.memory_space<hbm>>
      %dma_wait3A_723 = tpu.memref_slice %arg7[%dma_wait3A_714] : memref<6x!tpu.dma_semaphore, #tpu.memory_space<semaphore_mem>> -> memref<1x!tpu.dma_semaphore, #tpu.memory_space<semaphore_mem>>
      %dma_wait3A_724 = tpu.memref_squeeze %dma_wait3A_723 : memref<1x!tpu.dma_semaphore, #tpu.memory_space<semaphore_mem>> -> memref<!tpu.dma_semaphore, #tpu.memory_space<semaphore_mem>>
      tpu.wait_indirect_dma semaphore(%dma_wait3A_724 : memref<!tpu.dma_semaphore, #tpu.memory_space<semaphore_mem>>) src(%dma_wait3A_722 : memref<151936x2048xf32, #tpu.memory_space<hbm>>) dst(%dma_wait3A_718 : memref<8x2048xf32, #tpu.memory_space<vmem>>)
      %mul3A_725 = arith.constant 8 : i32
      %mul3A_726 = arith.muli %add3A_709, %mul3A_725 : i32
      %multiple_of3A_727 = tpu.assume_multiple %mul3A_726, 8 : i32
      %add3A_728 = arith.addi %mul3A_32, %multiple_of3A_727 : i32
      %dma_start3A_729 = arith.constant 3 : i32
      %dma_start3A_730 = arith.constant 3 : i32
      %dma_start3A_731 = arith.constant 0 : i32
      %dma_start3A_732 = arith.constant 0 : i32
      %dma_start3A_733 = tpu.memref_slice %arg6[%dma_start3A_729, %dma_start3A_731, %dma_start3A_732] : memref<6x8x2048xf32, #tpu.memory_space<vmem>> -> memref<1x8x2048xf32, #tpu.memory_space<vmem>>
      %dma_start3A_734 = tpu.memref_squeeze %dma_start3A_733 : memref<1x8x2048xf32, #tpu.memory_space<vmem>> -> memref<8x2048xf32, #tpu.memory_space<vmem>>
      %dma_start3A_735 = arith.constant 0 : i32
      %dma_start3A_736 = tpu.memref_slice %arg4[%select_n3A, %add3A_728, %dma_start3A_735] : memref<4x4096x2048xf32, #tpu.memory_space<hbm>> -> memref<1x8x2048xf32, #tpu.memory_space<hbm>>
      %dma_start3A_737 = tpu.memref_squeeze %dma_start3A_736 : memref<1x8x2048xf32, #tpu.memory_space<hbm>> -> memref<8x2048xf32, #tpu.memory_space<hbm>>
      %dma_start3A_738 = tpu.memref_slice %arg8[%dma_start3A_730] : memref<6x!tpu.dma_semaphore, #tpu.memory_space<semaphore_mem>> -> memref<1x!tpu.dma_semaphore, #tpu.memory_space<semaphore_mem>>
      %dma_start3A_739 = tpu.memref_squeeze %dma_start3A_738 : memref<1x!tpu.dma_semaphore, #tpu.memory_space<semaphore_mem>> -> memref<!tpu.dma_semaphore, #tpu.memory_space<semaphore_mem>>
      %dma_start3A_740 = arith.constant 0 : i32
      %dma_start3A_741 = tpu.memref_slice %arg4[%select_n3A, %add3A_728, %dma_start3A_740] : memref<4x4096x2048xf32, #tpu.memory_space<hbm>> -> memref<1x8x2048xf32, #tpu.memory_space<hbm>>
      %dma_start3A_742 = tpu.memref_squeeze %dma_start3A_741 : memref<1x8x2048xf32, #tpu.memory_space<hbm>> -> memref<8x2048xf32, #tpu.memory_space<hbm>>
      %dma_start3A_743 = arith.constant 0 : i32
      %dma_start3A_744 = arith.constant 0 : i32
      %dma_start3A_745 = tpu.memref_slice %arg6[%dma_start3A_729, %dma_start3A_743, %dma_start3A_744] : memref<6x8x2048xf32, #tpu.memory_space<vmem>> -> memref<1x8x2048xf32, #tpu.memory_space<vmem>>
      %dma_start3A_746 = tpu.memref_squeeze %dma_start3A_745 : memref<1x8x2048xf32, #tpu.memory_space<vmem>> -> memref<8x2048xf32, #tpu.memory_space<vmem>>
      tpu.enqueue_dma source(%dma_start3A_746 : memref<8x2048xf32, #tpu.memory_space<vmem>>) target(%dma_start3A_742 : memref<8x2048xf32, #tpu.memory_space<hbm>>) target_semaphore(%dma_start3A_739 : memref<!tpu.dma_semaphore, #tpu.memory_space<semaphore_mem>>)
      %mul3A_747 = arith.constant 6 : i32
      %mul3A_748 = arith.muli %scan3A_441, %mul3A_747 : i32
      %add3A_749 = arith.constant 4 : i32
      %add3A_750 = arith.addi %mul3A_748, %add3A_749 : i32
      %mul3A_751 = arith.constant 8 : i32
      %mul3A_752 = arith.muli %add3A_750, %mul3A_751 : i32
      %multiple_of3A_753 = tpu.assume_multiple %mul3A_752, 8 : i32
      %dma_wait3A_754 = arith.constant 4 : i32
      %dma_wait3A_755 = arith.constant 4 : i32
      %dma_wait3A_756 = arith.constant 0 : i32
      %dma_wait3A_757 = arith.constant 0 : i32
      %dma_wait3A_758 = tpu.memref_slice %arg6[%dma_wait3A_754, %dma_wait3A_756, %dma_wait3A_757] : memref<6x8x2048xf32, #tpu.memory_space<vmem>> -> memref<1x8x2048xf32, #tpu.memory_space<vmem>>
      %dma_wait3A_759 = tpu.memref_squeeze %dma_wait3A_758 : memref<1x8x2048xf32, #tpu.memory_space<vmem>> -> memref<8x2048xf32, #tpu.memory_space<vmem>>
      %dma_wait3A_760 = tpu.memref_slice %arg5[%multiple_of3A_753] : memref<512xi32, #tpu.memory_space<vmem>> -> memref<8xi32, #tpu.memory_space<vmem>>
      %dma_wait3A_761 = arith.constant 0 : i32
      %dma_wait3A_762 = arith.constant 0 : i32
      %dma_wait3A_763 = tpu.memref_slice %arg3[%dma_wait3A_761, %dma_wait3A_762] : memref<151936x2048xf32, #tpu.memory_space<hbm>> -> memref<151936x2048xf32, #tpu.memory_space<hbm>>
      %dma_wait3A_764 = tpu.memref_slice %arg7[%dma_wait3A_755] : memref<6x!tpu.dma_semaphore, #tpu.memory_space<semaphore_mem>> -> memref<1x!tpu.dma_semaphore, #tpu.memory_space<semaphore_mem>>
      %dma_wait3A_765 = tpu.memref_squeeze %dma_wait3A_764 : memref<1x!tpu.dma_semaphore, #tpu.memory_space<semaphore_mem>> -> memref<!tpu.dma_semaphore, #tpu.memory_space<semaphore_mem>>
      tpu.wait_indirect_dma semaphore(%dma_wait3A_765 : memref<!tpu.dma_semaphore, #tpu.memory_space<semaphore_mem>>) src(%dma_wait3A_763 : memref<151936x2048xf32, #tpu.memory_space<hbm>>) dst(%dma_wait3A_759 : memref<8x2048xf32, #tpu.memory_space<vmem>>)
      %mul3A_766 = arith.constant 8 : i32
      %mul3A_767 = arith.muli %add3A_750, %mul3A_766 : i32
      %multiple_of3A_768 = tpu.assume_multiple %mul3A_767, 8 : i32
      %add3A_769 = arith.addi %mul3A_32, %multiple_of3A_768 : i32
      %dma_start3A_770 = arith.constant 4 : i32
      %dma_start3A_771 = arith.constant 4 : i32
      %dma_start3A_772 = arith.constant 0 : i32
      %dma_start3A_773 = arith.constant 0 : i32
      %dma_start3A_774 = tpu.memref_slice %arg6[%dma_start3A_770, %dma_start3A_772, %dma_start3A_773] : memref<6x8x2048xf32, #tpu.memory_space<vmem>> -> memref<1x8x2048xf32, #tpu.memory_space<vmem>>
      %dma_start3A_775 = tpu.memref_squeeze %dma_start3A_774 : memref<1x8x2048xf32, #tpu.memory_space<vmem>> -> memref<8x2048xf32, #tpu.memory_space<vmem>>
      %dma_start3A_776 = arith.constant 0 : i32
      %dma_start3A_777 = tpu.memref_slice %arg4[%select_n3A, %add3A_769, %dma_start3A_776] : memref<4x4096x2048xf32, #tpu.memory_space<hbm>> -> memref<1x8x2048xf32, #tpu.memory_space<hbm>>
      %dma_start3A_778 = tpu.memref_squeeze %dma_start3A_777 : memref<1x8x2048xf32, #tpu.memory_space<hbm>> -> memref<8x2048xf32, #tpu.memory_space<hbm>>
      %dma_start3A_779 = tpu.memref_slice %arg8[%dma_start3A_771] : memref<6x!tpu.dma_semaphore, #tpu.memory_space<semaphore_mem>> -> memref<1x!tpu.dma_semaphore, #tpu.memory_space<semaphore_mem>>
      %dma_start3A_780 = tpu.memref_squeeze %dma_start3A_779 : memref<1x!tpu.dma_semaphore, #tpu.memory_space<semaphore_mem>> -> memref<!tpu.dma_semaphore, #tpu.memory_space<semaphore_mem>>
      %dma_start3A_781 = arith.constant 0 : i32
      %dma_start3A_782 = tpu.memref_slice %arg4[%select_n3A, %add3A_769, %dma_start3A_781] : memref<4x4096x2048xf32, #tpu.memory_space<hbm>> -> memref<1x8x2048xf32, #tpu.memory_space<hbm>>
      %dma_start3A_783 = tpu.memref_squeeze %dma_start3A_782 : memref<1x8x2048xf32, #tpu.memory_space<hbm>> -> memref<8x2048xf32, #tpu.memory_space<hbm>>
      %dma_start3A_784 = arith.constant 0 : i32
      %dma_start3A_785 = arith.constant 0 : i32
      %dma_start3A_786 = tpu.memref_slice %arg6[%dma_start3A_770, %dma_start3A_784, %dma_start3A_785] : memref<6x8x2048xf32, #tpu.memory_space<vmem>> -> memref<1x8x2048xf32, #tpu.memory_space<vmem>>
      %dma_start3A_787 = tpu.memref_squeeze %dma_start3A_786 : memref<1x8x2048xf32, #tpu.memory_space<vmem>> -> memref<8x2048xf32, #tpu.memory_space<vmem>>
      tpu.enqueue_dma source(%dma_start3A_787 : memref<8x2048xf32, #tpu.memory_space<vmem>>) target(%dma_start3A_783 : memref<8x2048xf32, #tpu.memory_space<hbm>>) target_semaphore(%dma_start3A_780 : memref<!tpu.dma_semaphore, #tpu.memory_space<semaphore_mem>>)
      %mul3A_788 = arith.constant 6 : i32
      %mul3A_789 = arith.muli %scan3A_441, %mul3A_788 : i32
      %add3A_790 = arith.constant 5 : i32
      %add3A_791 = arith.addi %mul3A_789, %add3A_790 : i32
      %mul3A_792 = arith.constant 8 : i32
      %mul3A_793 = arith.muli %add3A_791, %mul3A_792 : i32
      %multiple_of3A_794 = tpu.assume_multiple %mul3A_793, 8 : i32
      %dma_wait3A_795 = arith.constant 5 : i32
      %dma_wait3A_796 = arith.constant 5 : i32
      %dma_wait3A_797 = arith.constant 0 : i32
      %dma_wait3A_798 = arith.constant 0 : i32
      %dma_wait3A_799 = tpu.memref_slice %arg6[%dma_wait3A_795, %dma_wait3A_797, %dma_wait3A_798] : memref<6x8x2048xf32, #tpu.memory_space<vmem>> -> memref<1x8x2048xf32, #tpu.memory_space<vmem>>
      %dma_wait3A_800 = tpu.memref_squeeze %dma_wait3A_799 : memref<1x8x2048xf32, #tpu.memory_space<vmem>> -> memref<8x2048xf32, #tpu.memory_space<vmem>>
      %dma_wait3A_801 = tpu.memref_slice %arg5[%multiple_of3A_794] : memref<512xi32, #tpu.memory_space<vmem>> -> memref<8xi32, #tpu.memory_space<vmem>>
      %dma_wait3A_802 = arith.constant 0 : i32
      %dma_wait3A_803 = arith.constant 0 : i32
      %dma_wait3A_804 = tpu.memref_slice %arg3[%dma_wait3A_802, %dma_wait3A_803] : memref<151936x2048xf32, #tpu.memory_space<hbm>> -> memref<151936x2048xf32, #tpu.memory_space<hbm>>
      %dma_wait3A_805 = tpu.memref_slice %arg7[%dma_wait3A_796] : memref<6x!tpu.dma_semaphore, #tpu.memory_space<semaphore_mem>> -> memref<1x!tpu.dma_semaphore, #tpu.memory_space<semaphore_mem>>
      %dma_wait3A_806 = tpu.memref_squeeze %dma_wait3A_805 : memref<1x!tpu.dma_semaphore, #tpu.memory_space<semaphore_mem>> -> memref<!tpu.dma_semaphore, #tpu.memory_space<semaphore_mem>>
      tpu.wait_indirect_dma semaphore(%dma_wait3A_806 : memref<!tpu.dma_semaphore, #tpu.memory_space<semaphore_mem>>) src(%dma_wait3A_804 : memref<151936x2048xf32, #tpu.memory_space<hbm>>) dst(%dma_wait3A_800 : memref<8x2048xf32, #tpu.memory_space<vmem>>)
      %mul3A_807 = arith.constant 8 : i32
      %mul3A_808 = arith.muli %add3A_791, %mul3A_807 : i32
      %multiple_of3A_809 = tpu.assume_multiple %mul3A_808, 8 : i32
      %add3A_810 = arith.addi %mul3A_32, %multiple_of3A_809 : i32
      %dma_start3A_811 = arith.constant 5 : i32
      %dma_start3A_812 = arith.constant 5 : i32
      %dma_start3A_813 = arith.constant 0 : i32
      %dma_start3A_814 = arith.constant 0 : i32
      %dma_start3A_815 = tpu.memref_slice %arg6[%dma_start3A_811, %dma_start3A_813, %dma_start3A_814] : memref<6x8x2048xf32, #tpu.memory_space<vmem>> -> memref<1x8x2048xf32, #tpu.memory_space<vmem>>
      %dma_start3A_816 = tpu.memref_squeeze %dma_start3A_815 : memref<1x8x2048xf32, #tpu.memory_space<vmem>> -> memref<8x2048xf32, #tpu.memory_space<vmem>>
      %dma_start3A_817 = arith.constant 0 : i32
      %dma_start3A_818 = tpu.memref_slice %arg4[%select_n3A, %add3A_810, %dma_start3A_817] : memref<4x4096x2048xf32, #tpu.memory_space<hbm>> -> memref<1x8x2048xf32, #tpu.memory_space<hbm>>
      %dma_start3A_819 = tpu.memref_squeeze %dma_start3A_818 : memref<1x8x2048xf32, #tpu.memory_space<hbm>> -> memref<8x2048xf32, #tpu.memory_space<hbm>>
      %dma_start3A_820 = tpu.memref_slice %arg8[%dma_start3A_812] : memref<6x!tpu.dma_semaphore, #tpu.memory_space<semaphore_mem>> -> memref<1x!tpu.dma_semaphore, #tpu.memory_space<semaphore_mem>>
      %dma_start3A_821 = tpu.memref_squeeze %dma_start3A_820 : memref<1x!tpu.dma_semaphore, #tpu.memory_space<semaphore_mem>> -> memref<!tpu.dma_semaphore, #tpu.memory_space<semaphore_mem>>
      %dma_start3A_822 = arith.constant 0 : i32
      %dma_start3A_823 = tpu.memref_slice %arg4[%select_n3A, %add3A_810, %dma_start3A_822] : memref<4x4096x2048xf32, #tpu.memory_space<hbm>> -> memref<1x8x2048xf32, #tpu.memory_space<hbm>>
      %dma_start3A_824 = tpu.memref_squeeze %dma_start3A_823 : memref<1x8x2048xf32, #tpu.memory_space<hbm>> -> memref<8x2048xf32, #tpu.memory_space<hbm>>
      %dma_start3A_825 = arith.constant 0 : i32
      %dma_start3A_826 = arith.constant 0 : i32
      %dma_start3A_827 = tpu.memref_slice %arg6[%dma_start3A_811, %dma_start3A_825, %dma_start3A_826] : memref<6x8x2048xf32, #tpu.memory_space<vmem>> -> memref<1x8x2048xf32, #tpu.memory_space<vmem>>
      %dma_start3A_828 = tpu.memref_squeeze %dma_start3A_827 : memref<1x8x2048xf32, #tpu.memory_space<vmem>> -> memref<8x2048xf32, #tpu.memory_space<vmem>>
      tpu.enqueue_dma source(%dma_start3A_828 : memref<8x2048xf32, #tpu.memory_space<vmem>>) target(%dma_start3A_824 : memref<8x2048xf32, #tpu.memory_space<hbm>>) target_semaphore(%dma_start3A_821 : memref<!tpu.dma_semaphore, #tpu.memory_space<semaphore_mem>>)
    }
    %scan3A_37 = arith.constant 10 : i32
    %multiple_of3A = arith.constant 432 : i32
    %multiple_of3A_38 = tpu.assume_multiple %multiple_of3A, 8 : i32
    %add3A_39 = arith.addi %mul3A_32, %multiple_of3A_38 : i32
    %dma_wait3A = arith.constant 0 : i32
    %dma_wait3A_40 = arith.constant 0 : i32
    %dma_wait3A_41 = arith.constant 0 : i32
    %dma_wait3A_42 = arith.constant 0 : i32
    %dma_wait3A_43 = tpu.memref_slice %arg6[%dma_wait3A, %dma_wait3A_41, %dma_wait3A_42] : memref<6x8x2048xf32, #tpu.memory_space<vmem>> -> memref<1x8x2048xf32, #tpu.memory_space<vmem>>
    %dma_wait3A_44 = tpu.memref_squeeze %dma_wait3A_43 : memref<1x8x2048xf32, #tpu.memory_space<vmem>> -> memref<8x2048xf32, #tpu.memory_space<vmem>>
    %dma_wait3A_45 = arith.constant 0 : i32
    %dma_wait3A_46 = tpu.memref_slice %arg4[%select_n3A, %add3A_39, %dma_wait3A_45] : memref<4x4096x2048xf32, #tpu.memory_space<hbm>> -> memref<1x8x2048xf32, #tpu.memory_space<hbm>>
    %dma_wait3A_47 = tpu.memref_squeeze %dma_wait3A_46 : memref<1x8x2048xf32, #tpu.memory_space<hbm>> -> memref<8x2048xf32, #tpu.memory_space<hbm>>
    %dma_wait3A_48 = tpu.memref_slice %arg8[%dma_wait3A_40] : memref<6x!tpu.dma_semaphore, #tpu.memory_space<semaphore_mem>> -> memref<1x!tpu.dma_semaphore, #tpu.memory_space<semaphore_mem>>
    %dma_wait3A_49 = tpu.memref_squeeze %dma_wait3A_48 : memref<1x!tpu.dma_semaphore, #tpu.memory_space<semaphore_mem>> -> memref<!tpu.dma_semaphore, #tpu.memory_space<semaphore_mem>>
    %dma_wait3A_50 = arith.constant 0 : i32
    %dma_wait3A_51 = tpu.memref_slice %arg4[%select_n3A, %add3A_39, %dma_wait3A_50] : memref<4x4096x2048xf32, #tpu.memory_space<hbm>> -> memref<1x8x2048xf32, #tpu.memory_space<hbm>>
    %dma_wait3A_52 = tpu.memref_squeeze %dma_wait3A_51 : memref<1x8x2048xf32, #tpu.memory_space<hbm>> -> memref<8x2048xf32, #tpu.memory_space<hbm>>
    %dma_wait3A_53 = arith.constant 0 : i32
    %dma_wait3A_54 = arith.constant 0 : i32
    %dma_wait3A_55 = tpu.memref_slice %arg6[%dma_wait3A, %dma_wait3A_53, %dma_wait3A_54] : memref<6x8x2048xf32, #tpu.memory_space<vmem>> -> memref<1x8x2048xf32, #tpu.memory_space<vmem>>
    %dma_wait3A_56 = tpu.memref_squeeze %dma_wait3A_55 : memref<1x8x2048xf32, #tpu.memory_space<vmem>> -> memref<8x2048xf32, #tpu.memory_space<vmem>>
    tpu.wait_dma2 semaphore(%dma_wait3A_49 : memref<!tpu.dma_semaphore, #tpu.memory_space<semaphore_mem>>) src(%dma_wait3A_56 : memref<8x2048xf32, #tpu.memory_space<vmem>>) dst(%dma_wait3A_52 : memref<8x2048xf32, #tpu.memory_space<hbm>>)
    %multiple_of3A_57 = arith.constant 480 : i32
    %multiple_of3A_58 = tpu.assume_multiple %multiple_of3A_57, 8 : i32
    %dma_start3A = arith.constant 0 : i32
    %dma_start3A_59 = arith.constant 0 : i32
    %dma_start3A_60 = arith.constant 0 : i32
    %dma_start3A_61 = arith.constant 0 : i32
    %dma_start3A_62 = tpu.memref_slice %arg6[%dma_start3A, %dma_start3A_60, %dma_start3A_61] : memref<6x8x2048xf32, #tpu.memory_space<vmem>> -> memref<1x8x2048xf32, #tpu.memory_space<vmem>>
    %dma_start3A_63 = tpu.memref_squeeze %dma_start3A_62 : memref<1x8x2048xf32, #tpu.memory_space<vmem>> -> memref<8x2048xf32, #tpu.memory_space<vmem>>
    %dma_start3A_64 = tpu.memref_slice %arg5[%multiple_of3A_58] : memref<512xi32, #tpu.memory_space<vmem>> -> memref<8xi32, #tpu.memory_space<vmem>>
    %dma_start3A_65 = arith.constant 0 : i32
    %dma_start3A_66 = arith.constant 0 : i32
    %dma_start3A_67 = tpu.memref_slice %arg3[%dma_start3A_65, %dma_start3A_66] : memref<151936x2048xf32, #tpu.memory_space<hbm>> -> memref<151936x2048xf32, #tpu.memory_space<hbm>>
    %dma_start3A_68 = tpu.memref_slice %arg7[%dma_start3A_59] : memref<6x!tpu.dma_semaphore, #tpu.memory_space<semaphore_mem>> -> memref<1x!tpu.dma_semaphore, #tpu.memory_space<semaphore_mem>>
    %dma_start3A_69 = tpu.memref_squeeze %dma_start3A_68 : memref<1x!tpu.dma_semaphore, #tpu.memory_space<semaphore_mem>> -> memref<!tpu.dma_semaphore, #tpu.memory_space<semaphore_mem>>
    tpu.enqueue_indirect_dma source(%dma_start3A_67 : memref<151936x2048xf32, #tpu.memory_space<hbm>>) target(%dma_start3A_63 : memref<8x2048xf32, #tpu.memory_space<vmem>>) offsets(%dma_start3A_64 : memref<8xi32, #tpu.memory_space<vmem>>) semaphore(%dma_start3A_69 : memref<!tpu.dma_semaphore, #tpu.memory_space<semaphore_mem>>)
    %multiple_of3A_70 = arith.constant 440 : i32
    %multiple_of3A_71 = tpu.assume_multiple %multiple_of3A_70, 8 : i32
    %add3A_72 = arith.addi %mul3A_32, %multiple_of3A_71 : i32
    %dma_wait3A_73 = arith.constant 1 : i32
    %dma_wait3A_74 = arith.constant 1 : i32
    %dma_wait3A_75 = arith.constant 0 : i32
    %dma_wait3A_76 = arith.constant 0 : i32
    %dma_wait3A_77 = tpu.memref_slice %arg6[%dma_wait3A_73, %dma_wait3A_75, %dma_wait3A_76] : memref<6x8x2048xf32, #tpu.memory_space<vmem>> -> memref<1x8x2048xf32, #tpu.memory_space<vmem>>
    %dma_wait3A_78 = tpu.memref_squeeze %dma_wait3A_77 : memref<1x8x2048xf32, #tpu.memory_space<vmem>> -> memref<8x2048xf32, #tpu.memory_space<vmem>>
    %dma_wait3A_79 = arith.constant 0 : i32
    %dma_wait3A_80 = tpu.memref_slice %arg4[%select_n3A, %add3A_72, %dma_wait3A_79] : memref<4x4096x2048xf32, #tpu.memory_space<hbm>> -> memref<1x8x2048xf32, #tpu.memory_space<hbm>>
    %dma_wait3A_81 = tpu.memref_squeeze %dma_wait3A_80 : memref<1x8x2048xf32, #tpu.memory_space<hbm>> -> memref<8x2048xf32, #tpu.memory_space<hbm>>
    %dma_wait3A_82 = tpu.memref_slice %arg8[%dma_wait3A_74] : memref<6x!tpu.dma_semaphore, #tpu.memory_space<semaphore_mem>> -> memref<1x!tpu.dma_semaphore, #tpu.memory_space<semaphore_mem>>
    %dma_wait3A_83 = tpu.memref_squeeze %dma_wait3A_82 : memref<1x!tpu.dma_semaphore, #tpu.memory_space<semaphore_mem>> -> memref<!tpu.dma_semaphore, #tpu.memory_space<semaphore_mem>>
    %dma_wait3A_84 = arith.constant 0 : i32
    %dma_wait3A_85 = tpu.memref_slice %arg4[%select_n3A, %add3A_72, %dma_wait3A_84] : memref<4x4096x2048xf32, #tpu.memory_space<hbm>> -> memref<1x8x2048xf32, #tpu.memory_space<hbm>>
    %dma_wait3A_86 = tpu.memref_squeeze %dma_wait3A_85 : memref<1x8x2048xf32, #tpu.memory_space<hbm>> -> memref<8x2048xf32, #tpu.memory_space<hbm>>
    %dma_wait3A_87 = arith.constant 0 : i32
    %dma_wait3A_88 = arith.constant 0 : i32
    %dma_wait3A_89 = tpu.memref_slice %arg6[%dma_wait3A_73, %dma_wait3A_87, %dma_wait3A_88] : memref<6x8x2048xf32, #tpu.memory_space<vmem>> -> memref<1x8x2048xf32, #tpu.memory_space<vmem>>
    %dma_wait3A_90 = tpu.memref_squeeze %dma_wait3A_89 : memref<1x8x2048xf32, #tpu.memory_space<vmem>> -> memref<8x2048xf32, #tpu.memory_space<vmem>>
    tpu.wait_dma2 semaphore(%dma_wait3A_83 : memref<!tpu.dma_semaphore, #tpu.memory_space<semaphore_mem>>) src(%dma_wait3A_90 : memref<8x2048xf32, #tpu.memory_space<vmem>>) dst(%dma_wait3A_86 : memref<8x2048xf32, #tpu.memory_space<hbm>>)
    %multiple_of3A_91 = arith.constant 488 : i32
    %multiple_of3A_92 = tpu.assume_multiple %multiple_of3A_91, 8 : i32
    %dma_start3A_93 = arith.constant 1 : i32
    %dma_start3A_94 = arith.constant 1 : i32
    %dma_start3A_95 = arith.constant 0 : i32
    %dma_start3A_96 = arith.constant 0 : i32
    %dma_start3A_97 = tpu.memref_slice %arg6[%dma_start3A_93, %dma_start3A_95, %dma_start3A_96] : memref<6x8x2048xf32, #tpu.memory_space<vmem>> -> memref<1x8x2048xf32, #tpu.memory_space<vmem>>
    %dma_start3A_98 = tpu.memref_squeeze %dma_start3A_97 : memref<1x8x2048xf32, #tpu.memory_space<vmem>> -> memref<8x2048xf32, #tpu.memory_space<vmem>>
    %dma_start3A_99 = tpu.memref_slice %arg5[%multiple_of3A_92] : memref<512xi32, #tpu.memory_space<vmem>> -> memref<8xi32, #tpu.memory_space<vmem>>
    %dma_start3A_100 = arith.constant 0 : i32
    %dma_start3A_101 = arith.constant 0 : i32
    %dma_start3A_102 = tpu.memref_slice %arg3[%dma_start3A_100, %dma_start3A_101] : memref<151936x2048xf32, #tpu.memory_space<hbm>> -> memref<151936x2048xf32, #tpu.memory_space<hbm>>
    %dma_start3A_103 = tpu.memref_slice %arg7[%dma_start3A_94] : memref<6x!tpu.dma_semaphore, #tpu.memory_space<semaphore_mem>> -> memref<1x!tpu.dma_semaphore, #tpu.memory_space<semaphore_mem>>
    %dma_start3A_104 = tpu.memref_squeeze %dma_start3A_103 : memref<1x!tpu.dma_semaphore, #tpu.memory_space<semaphore_mem>> -> memref<!tpu.dma_semaphore, #tpu.memory_space<semaphore_mem>>
    tpu.enqueue_indirect_dma source(%dma_start3A_102 : memref<151936x2048xf32, #tpu.memory_space<hbm>>) target(%dma_start3A_98 : memref<8x2048xf32, #tpu.memory_space<vmem>>) offsets(%dma_start3A_99 : memref<8xi32, #tpu.memory_space<vmem>>) semaphore(%dma_start3A_104 : memref<!tpu.dma_semaphore, #tpu.memory_space<semaphore_mem>>)
    %multiple_of3A_105 = arith.constant 448 : i32
    %multiple_of3A_106 = tpu.assume_multiple %multiple_of3A_105, 8 : i32
    %add3A_107 = arith.addi %mul3A_32, %multiple_of3A_106 : i32
    %dma_wait3A_108 = arith.constant 2 : i32
    %dma_wait3A_109 = arith.constant 2 : i32
    %dma_wait3A_110 = arith.constant 0 : i32
    %dma_wait3A_111 = arith.constant 0 : i32
    %dma_wait3A_112 = tpu.memref_slice %arg6[%dma_wait3A_108, %dma_wait3A_110, %dma_wait3A_111] : memref<6x8x2048xf32, #tpu.memory_space<vmem>> -> memref<1x8x2048xf32, #tpu.memory_space<vmem>>
    %dma_wait3A_113 = tpu.memref_squeeze %dma_wait3A_112 : memref<1x8x2048xf32, #tpu.memory_space<vmem>> -> memref<8x2048xf32, #tpu.memory_space<vmem>>
    %dma_wait3A_114 = arith.constant 0 : i32
    %dma_wait3A_115 = tpu.memref_slice %arg4[%select_n3A, %add3A_107, %dma_wait3A_114] : memref<4x4096x2048xf32, #tpu.memory_space<hbm>> -> memref<1x8x2048xf32, #tpu.memory_space<hbm>>
    %dma_wait3A_116 = tpu.memref_squeeze %dma_wait3A_115 : memref<1x8x2048xf32, #tpu.memory_space<hbm>> -> memref<8x2048xf32, #tpu.memory_space<hbm>>
    %dma_wait3A_117 = tpu.memref_slice %arg8[%dma_wait3A_109] : memref<6x!tpu.dma_semaphore, #tpu.memory_space<semaphore_mem>> -> memref<1x!tpu.dma_semaphore, #tpu.memory_space<semaphore_mem>>
    %dma_wait3A_118 = tpu.memref_squeeze %dma_wait3A_117 : memref<1x!tpu.dma_semaphore, #tpu.memory_space<semaphore_mem>> -> memref<!tpu.dma_semaphore, #tpu.memory_space<semaphore_mem>>
    %dma_wait3A_119 = arith.constant 0 : i32
    %dma_wait3A_120 = tpu.memref_slice %arg4[%select_n3A, %add3A_107, %dma_wait3A_119] : memref<4x4096x2048xf32, #tpu.memory_space<hbm>> -> memref<1x8x2048xf32, #tpu.memory_space<hbm>>
    %dma_wait3A_121 = tpu.memref_squeeze %dma_wait3A_120 : memref<1x8x2048xf32, #tpu.memory_space<hbm>> -> memref<8x2048xf32, #tpu.memory_space<hbm>>
    %dma_wait3A_122 = arith.constant 0 : i32
    %dma_wait3A_123 = arith.constant 0 : i32
    %dma_wait3A_124 = tpu.memref_slice %arg6[%dma_wait3A_108, %dma_wait3A_122, %dma_wait3A_123] : memref<6x8x2048xf32, #tpu.memory_space<vmem>> -> memref<1x8x2048xf32, #tpu.memory_space<vmem>>
    %dma_wait3A_125 = tpu.memref_squeeze %dma_wait3A_124 : memref<1x8x2048xf32, #tpu.memory_space<vmem>> -> memref<8x2048xf32, #tpu.memory_space<vmem>>
    tpu.wait_dma2 semaphore(%dma_wait3A_118 : memref<!tpu.dma_semaphore, #tpu.memory_space<semaphore_mem>>) src(%dma_wait3A_125 : memref<8x2048xf32, #tpu.memory_space<vmem>>) dst(%dma_wait3A_121 : memref<8x2048xf32, #tpu.memory_space<hbm>>)
    %multiple_of3A_126 = arith.constant 496 : i32
    %multiple_of3A_127 = tpu.assume_multiple %multiple_of3A_126, 8 : i32
    %dma_start3A_128 = arith.constant 2 : i32
    %dma_start3A_129 = arith.constant 2 : i32
    %dma_start3A_130 = arith.constant 0 : i32
    %dma_start3A_131 = arith.constant 0 : i32
    %dma_start3A_132 = tpu.memref_slice %arg6[%dma_start3A_128, %dma_start3A_130, %dma_start3A_131] : memref<6x8x2048xf32, #tpu.memory_space<vmem>> -> memref<1x8x2048xf32, #tpu.memory_space<vmem>>
    %dma_start3A_133 = tpu.memref_squeeze %dma_start3A_132 : memref<1x8x2048xf32, #tpu.memory_space<vmem>> -> memref<8x2048xf32, #tpu.memory_space<vmem>>
    %dma_start3A_134 = tpu.memref_slice %arg5[%multiple_of3A_127] : memref<512xi32, #tpu.memory_space<vmem>> -> memref<8xi32, #tpu.memory_space<vmem>>
    %dma_start3A_135 = arith.constant 0 : i32
    %dma_start3A_136 = arith.constant 0 : i32
    %dma_start3A_137 = tpu.memref_slice %arg3[%dma_start3A_135, %dma_start3A_136] : memref<151936x2048xf32, #tpu.memory_space<hbm>> -> memref<151936x2048xf32, #tpu.memory_space<hbm>>
    %dma_start3A_138 = tpu.memref_slice %arg7[%dma_start3A_129] : memref<6x!tpu.dma_semaphore, #tpu.memory_space<semaphore_mem>> -> memref<1x!tpu.dma_semaphore, #tpu.memory_space<semaphore_mem>>
    %dma_start3A_139 = tpu.memref_squeeze %dma_start3A_138 : memref<1x!tpu.dma_semaphore, #tpu.memory_space<semaphore_mem>> -> memref<!tpu.dma_semaphore, #tpu.memory_space<semaphore_mem>>
    tpu.enqueue_indirect_dma source(%dma_start3A_137 : memref<151936x2048xf32, #tpu.memory_space<hbm>>) target(%dma_start3A_133 : memref<8x2048xf32, #tpu.memory_space<vmem>>) offsets(%dma_start3A_134 : memref<8xi32, #tpu.memory_space<vmem>>) semaphore(%dma_start3A_139 : memref<!tpu.dma_semaphore, #tpu.memory_space<semaphore_mem>>)
    %multiple_of3A_140 = arith.constant 456 : i32
    %multiple_of3A_141 = tpu.assume_multiple %multiple_of3A_140, 8 : i32
    %add3A_142 = arith.addi %mul3A_32, %multiple_of3A_141 : i32
    %dma_wait3A_143 = arith.constant 3 : i32
    %dma_wait3A_144 = arith.constant 3 : i32
    %dma_wait3A_145 = arith.constant 0 : i32
    %dma_wait3A_146 = arith.constant 0 : i32
    %dma_wait3A_147 = tpu.memref_slice %arg6[%dma_wait3A_143, %dma_wait3A_145, %dma_wait3A_146] : memref<6x8x2048xf32, #tpu.memory_space<vmem>> -> memref<1x8x2048xf32, #tpu.memory_space<vmem>>
    %dma_wait3A_148 = tpu.memref_squeeze %dma_wait3A_147 : memref<1x8x2048xf32, #tpu.memory_space<vmem>> -> memref<8x2048xf32, #tpu.memory_space<vmem>>
    %dma_wait3A_149 = arith.constant 0 : i32
    %dma_wait3A_150 = tpu.memref_slice %arg4[%select_n3A, %add3A_142, %dma_wait3A_149] : memref<4x4096x2048xf32, #tpu.memory_space<hbm>> -> memref<1x8x2048xf32, #tpu.memory_space<hbm>>
    %dma_wait3A_151 = tpu.memref_squeeze %dma_wait3A_150 : memref<1x8x2048xf32, #tpu.memory_space<hbm>> -> memref<8x2048xf32, #tpu.memory_space<hbm>>
    %dma_wait3A_152 = tpu.memref_slice %arg8[%dma_wait3A_144] : memref<6x!tpu.dma_semaphore, #tpu.memory_space<semaphore_mem>> -> memref<1x!tpu.dma_semaphore, #tpu.memory_space<semaphore_mem>>
    %dma_wait3A_153 = tpu.memref_squeeze %dma_wait3A_152 : memref<1x!tpu.dma_semaphore, #tpu.memory_space<semaphore_mem>> -> memref<!tpu.dma_semaphore, #tpu.memory_space<semaphore_mem>>
    %dma_wait3A_154 = arith.constant 0 : i32
    %dma_wait3A_155 = tpu.memref_slice %arg4[%select_n3A, %add3A_142, %dma_wait3A_154] : memref<4x4096x2048xf32, #tpu.memory_space<hbm>> -> memref<1x8x2048xf32, #tpu.memory_space<hbm>>
    %dma_wait3A_156 = tpu.memref_squeeze %dma_wait3A_155 : memref<1x8x2048xf32, #tpu.memory_space<hbm>> -> memref<8x2048xf32, #tpu.memory_space<hbm>>
    %dma_wait3A_157 = arith.constant 0 : i32
    %dma_wait3A_158 = arith.constant 0 : i32
    %dma_wait3A_159 = tpu.memref_slice %arg6[%dma_wait3A_143, %dma_wait3A_157, %dma_wait3A_158] : memref<6x8x2048xf32, #tpu.memory_space<vmem>> -> memref<1x8x2048xf32, #tpu.memory_space<vmem>>
    %dma_wait3A_160 = tpu.memref_squeeze %dma_wait3A_159 : memref<1x8x2048xf32, #tpu.memory_space<vmem>> -> memref<8x2048xf32, #tpu.memory_space<vmem>>
    tpu.wait_dma2 semaphore(%dma_wait3A_153 : memref<!tpu.dma_semaphore, #tpu.memory_space<semaphore_mem>>) src(%dma_wait3A_160 : memref<8x2048xf32, #tpu.memory_space<vmem>>) dst(%dma_wait3A_156 : memref<8x2048xf32, #tpu.memory_space<hbm>>)
    %multiple_of3A_161 = arith.constant 504 : i32
    %multiple_of3A_162 = tpu.assume_multiple %multiple_of3A_161, 8 : i32
    %dma_start3A_163 = arith.constant 3 : i32
    %dma_start3A_164 = arith.constant 3 : i32
    %dma_start3A_165 = arith.constant 0 : i32
    %dma_start3A_166 = arith.constant 0 : i32
    %dma_start3A_167 = tpu.memref_slice %arg6[%dma_start3A_163, %dma_start3A_165, %dma_start3A_166] : memref<6x8x2048xf32, #tpu.memory_space<vmem>> -> memref<1x8x2048xf32, #tpu.memory_space<vmem>>
    %dma_start3A_168 = tpu.memref_squeeze %dma_start3A_167 : memref<1x8x2048xf32, #tpu.memory_space<vmem>> -> memref<8x2048xf32, #tpu.memory_space<vmem>>
    %dma_start3A_169 = tpu.memref_slice %arg5[%multiple_of3A_162] : memref<512xi32, #tpu.memory_space<vmem>> -> memref<8xi32, #tpu.memory_space<vmem>>
    %dma_start3A_170 = arith.constant 0 : i32
    %dma_start3A_171 = arith.constant 0 : i32
    %dma_start3A_172 = tpu.memref_slice %arg3[%dma_start3A_170, %dma_start3A_171] : memref<151936x2048xf32, #tpu.memory_space<hbm>> -> memref<151936x2048xf32, #tpu.memory_space<hbm>>
    %dma_start3A_173 = tpu.memref_slice %arg7[%dma_start3A_164] : memref<6x!tpu.dma_semaphore, #tpu.memory_space<semaphore_mem>> -> memref<1x!tpu.dma_semaphore, #tpu.memory_space<semaphore_mem>>
    %dma_start3A_174 = tpu.memref_squeeze %dma_start3A_173 : memref<1x!tpu.dma_semaphore, #tpu.memory_space<semaphore_mem>> -> memref<!tpu.dma_semaphore, #tpu.memory_space<semaphore_mem>>
    tpu.enqueue_indirect_dma source(%dma_start3A_172 : memref<151936x2048xf32, #tpu.memory_space<hbm>>) target(%dma_start3A_168 : memref<8x2048xf32, #tpu.memory_space<vmem>>) offsets(%dma_start3A_169 : memref<8xi32, #tpu.memory_space<vmem>>) semaphore(%dma_start3A_174 : memref<!tpu.dma_semaphore, #tpu.memory_space<semaphore_mem>>)
    %multiple_of3A_175 = arith.constant 480 : i32
    %multiple_of3A_176 = tpu.assume_multiple %multiple_of3A_175, 8 : i32
    %dma_wait3A_177 = arith.constant 0 : i32
    %dma_wait3A_178 = arith.constant 0 : i32
    %dma_wait3A_179 = arith.constant 0 : i32
    %dma_wait3A_180 = arith.constant 0 : i32
    %dma_wait3A_181 = tpu.memref_slice %arg6[%dma_wait3A_177, %dma_wait3A_179, %dma_wait3A_180] : memref<6x8x2048xf32, #tpu.memory_space<vmem>> -> memref<1x8x2048xf32, #tpu.memory_space<vmem>>
    %dma_wait3A_182 = tpu.memref_squeeze %dma_wait3A_181 : memref<1x8x2048xf32, #tpu.memory_space<vmem>> -> memref<8x2048xf32, #tpu.memory_space<vmem>>
    %dma_wait3A_183 = tpu.memref_slice %arg5[%multiple_of3A_176] : memref<512xi32, #tpu.memory_space<vmem>> -> memref<8xi32, #tpu.memory_space<vmem>>
    %dma_wait3A_184 = arith.constant 0 : i32
    %dma_wait3A_185 = arith.constant 0 : i32
    %dma_wait3A_186 = tpu.memref_slice %arg3[%dma_wait3A_184, %dma_wait3A_185] : memref<151936x2048xf32, #tpu.memory_space<hbm>> -> memref<151936x2048xf32, #tpu.memory_space<hbm>>
    %dma_wait3A_187 = tpu.memref_slice %arg7[%dma_wait3A_178] : memref<6x!tpu.dma_semaphore, #tpu.memory_space<semaphore_mem>> -> memref<1x!tpu.dma_semaphore, #tpu.memory_space<semaphore_mem>>
    %dma_wait3A_188 = tpu.memref_squeeze %dma_wait3A_187 : memref<1x!tpu.dma_semaphore, #tpu.memory_space<semaphore_mem>> -> memref<!tpu.dma_semaphore, #tpu.memory_space<semaphore_mem>>
    tpu.wait_indirect_dma semaphore(%dma_wait3A_188 : memref<!tpu.dma_semaphore, #tpu.memory_space<semaphore_mem>>) src(%dma_wait3A_186 : memref<151936x2048xf32, #tpu.memory_space<hbm>>) dst(%dma_wait3A_182 : memref<8x2048xf32, #tpu.memory_space<vmem>>)
    %multiple_of3A_189 = arith.constant 480 : i32
    %multiple_of3A_190 = tpu.assume_multiple %multiple_of3A_189, 8 : i32
    %add3A_191 = arith.addi %mul3A_32, %multiple_of3A_190 : i32
    %dma_start3A_192 = arith.constant 0 : i32
    %dma_start3A_193 = arith.constant 0 : i32
    %dma_start3A_194 = arith.constant 0 : i32
    %dma_start3A_195 = arith.constant 0 : i32
    %dma_start3A_196 = tpu.memref_slice %arg6[%dma_start3A_192, %dma_start3A_194, %dma_start3A_195] : memref<6x8x2048xf32, #tpu.memory_space<vmem>> -> memref<1x8x2048xf32, #tpu.memory_space<vmem>>
    %dma_start3A_197 = tpu.memref_squeeze %dma_start3A_196 : memref<1x8x2048xf32, #tpu.memory_space<vmem>> -> memref<8x2048xf32, #tpu.memory_space<vmem>>
    %dma_start3A_198 = arith.constant 0 : i32
    %dma_start3A_199 = tpu.memref_slice %arg4[%select_n3A, %add3A_191, %dma_start3A_198] : memref<4x4096x2048xf32, #tpu.memory_space<hbm>> -> memref<1x8x2048xf32, #tpu.memory_space<hbm>>
    %dma_start3A_200 = tpu.memref_squeeze %dma_start3A_199 : memref<1x8x2048xf32, #tpu.memory_space<hbm>> -> memref<8x2048xf32, #tpu.memory_space<hbm>>
    %dma_start3A_201 = tpu.memref_slice %arg8[%dma_start3A_193] : memref<6x!tpu.dma_semaphore, #tpu.memory_space<semaphore_mem>> -> memref<1x!tpu.dma_semaphore, #tpu.memory_space<semaphore_mem>>
    %dma_start3A_202 = tpu.memref_squeeze %dma_start3A_201 : memref<1x!tpu.dma_semaphore, #tpu.memory_space<semaphore_mem>> -> memref<!tpu.dma_semaphore, #tpu.memory_space<semaphore_mem>>
    %dma_start3A_203 = arith.constant 0 : i32
    %dma_start3A_204 = tpu.memref_slice %arg4[%select_n3A, %add3A_191, %dma_start3A_203] : memref<4x4096x2048xf32, #tpu.memory_space<hbm>> -> memref<1x8x2048xf32, #tpu.memory_space<hbm>>
    %dma_start3A_205 = tpu.memref_squeeze %dma_start3A_204 : memref<1x8x2048xf32, #tpu.memory_space<hbm>> -> memref<8x2048xf32, #tpu.memory_space<hbm>>
    %dma_start3A_206 = arith.constant 0 : i32
    %dma_start3A_207 = arith.constant 0 : i32
    %dma_start3A_208 = tpu.memref_slice %arg6[%dma_start3A_192, %dma_start3A_206, %dma_start3A_207] : memref<6x8x2048xf32, #tpu.memory_space<vmem>> -> memref<1x8x2048xf32, #tpu.memory_space<vmem>>
    %dma_start3A_209 = tpu.memref_squeeze %dma_start3A_208 : memref<1x8x2048xf32, #tpu.memory_space<vmem>> -> memref<8x2048xf32, #tpu.memory_space<vmem>>
    tpu.enqueue_dma source(%dma_start3A_209 : memref<8x2048xf32, #tpu.memory_space<vmem>>) target(%dma_start3A_205 : memref<8x2048xf32, #tpu.memory_space<hbm>>) target_semaphore(%dma_start3A_202 : memref<!tpu.dma_semaphore, #tpu.memory_space<semaphore_mem>>)
    %multiple_of3A_210 = arith.constant 480 : i32
    %multiple_of3A_211 = tpu.assume_multiple %multiple_of3A_210, 8 : i32
    %add3A_212 = arith.addi %mul3A_32, %multiple_of3A_211 : i32
    %dma_wait3A_213 = arith.constant 0 : i32
    %dma_wait3A_214 = arith.constant 0 : i32
    %dma_wait3A_215 = arith.constant 0 : i32
    %dma_wait3A_216 = arith.constant 0 : i32
    %dma_wait3A_217 = tpu.memref_slice %arg6[%dma_wait3A_213, %dma_wait3A_215, %dma_wait3A_216] : memref<6x8x2048xf32, #tpu.memory_space<vmem>> -> memref<1x8x2048xf32, #tpu.memory_space<vmem>>
    %dma_wait3A_218 = tpu.memref_squeeze %dma_wait3A_217 : memref<1x8x2048xf32, #tpu.memory_space<vmem>> -> memref<8x2048xf32, #tpu.memory_space<vmem>>
    %dma_wait3A_219 = arith.constant 0 : i32
    %dma_wait3A_220 = tpu.memref_slice %arg4[%select_n3A, %add3A_212, %dma_wait3A_219] : memref<4x4096x2048xf32, #tpu.memory_space<hbm>> -> memref<1x8x2048xf32, #tpu.memory_space<hbm>>
    %dma_wait3A_221 = tpu.memref_squeeze %dma_wait3A_220 : memref<1x8x2048xf32, #tpu.memory_space<hbm>> -> memref<8x2048xf32, #tpu.memory_space<hbm>>
    %dma_wait3A_222 = tpu.memref_slice %arg8[%dma_wait3A_214] : memref<6x!tpu.dma_semaphore, #tpu.memory_space<semaphore_mem>> -> memref<1x!tpu.dma_semaphore, #tpu.memory_space<semaphore_mem>>
    %dma_wait3A_223 = tpu.memref_squeeze %dma_wait3A_222 : memref<1x!tpu.dma_semaphore, #tpu.memory_space<semaphore_mem>> -> memref<!tpu.dma_semaphore, #tpu.memory_space<semaphore_mem>>
    %dma_wait3A_224 = arith.constant 0 : i32
    %dma_wait3A_225 = tpu.memref_slice %arg4[%select_n3A, %add3A_212, %dma_wait3A_224] : memref<4x4096x2048xf32, #tpu.memory_space<hbm>> -> memref<1x8x2048xf32, #tpu.memory_space<hbm>>
    %dma_wait3A_226 = tpu.memref_squeeze %dma_wait3A_225 : memref<1x8x2048xf32, #tpu.memory_space<hbm>> -> memref<8x2048xf32, #tpu.memory_space<hbm>>
    %dma_wait3A_227 = arith.constant 0 : i32
    %dma_wait3A_228 = arith.constant 0 : i32
    %dma_wait3A_229 = tpu.memref_slice %arg6[%dma_wait3A_213, %dma_wait3A_227, %dma_wait3A_228] : memref<6x8x2048xf32, #tpu.memory_space<vmem>> -> memref<1x8x2048xf32, #tpu.memory_space<vmem>>
    %dma_wait3A_230 = tpu.memref_squeeze %dma_wait3A_229 : memref<1x8x2048xf32, #tpu.memory_space<vmem>> -> memref<8x2048xf32, #tpu.memory_space<vmem>>
    tpu.wait_dma2 semaphore(%dma_wait3A_223 : memref<!tpu.dma_semaphore, #tpu.memory_space<semaphore_mem>>) src(%dma_wait3A_230 : memref<8x2048xf32, #tpu.memory_space<vmem>>) dst(%dma_wait3A_226 : memref<8x2048xf32, #tpu.memory_space<hbm>>)
    %multiple_of3A_231 = arith.constant 488 : i32
    %multiple_of3A_232 = tpu.assume_multiple %multiple_of3A_231, 8 : i32
    %dma_wait3A_233 = arith.constant 1 : i32
    %dma_wait3A_234 = arith.constant 1 : i32
    %dma_wait3A_235 = arith.constant 0 : i32
    %dma_wait3A_236 = arith.constant 0 : i32
    %dma_wait3A_237 = tpu.memref_slice %arg6[%dma_wait3A_233, %dma_wait3A_235, %dma_wait3A_236] : memref<6x8x2048xf32, #tpu.memory_space<vmem>> -> memref<1x8x2048xf32, #tpu.memory_space<vmem>>
    %dma_wait3A_238 = tpu.memref_squeeze %dma_wait3A_237 : memref<1x8x2048xf32, #tpu.memory_space<vmem>> -> memref<8x2048xf32, #tpu.memory_space<vmem>>
    %dma_wait3A_239 = tpu.memref_slice %arg5[%multiple_of3A_232] : memref<512xi32, #tpu.memory_space<vmem>> -> memref<8xi32, #tpu.memory_space<vmem>>
    %dma_wait3A_240 = arith.constant 0 : i32
    %dma_wait3A_241 = arith.constant 0 : i32
    %dma_wait3A_242 = tpu.memref_slice %arg3[%dma_wait3A_240, %dma_wait3A_241] : memref<151936x2048xf32, #tpu.memory_space<hbm>> -> memref<151936x2048xf32, #tpu.memory_space<hbm>>
    %dma_wait3A_243 = tpu.memref_slice %arg7[%dma_wait3A_234] : memref<6x!tpu.dma_semaphore, #tpu.memory_space<semaphore_mem>> -> memref<1x!tpu.dma_semaphore, #tpu.memory_space<semaphore_mem>>
    %dma_wait3A_244 = tpu.memref_squeeze %dma_wait3A_243 : memref<1x!tpu.dma_semaphore, #tpu.memory_space<semaphore_mem>> -> memref<!tpu.dma_semaphore, #tpu.memory_space<semaphore_mem>>
    tpu.wait_indirect_dma semaphore(%dma_wait3A_244 : memref<!tpu.dma_semaphore, #tpu.memory_space<semaphore_mem>>) src(%dma_wait3A_242 : memref<151936x2048xf32, #tpu.memory_space<hbm>>) dst(%dma_wait3A_238 : memref<8x2048xf32, #tpu.memory_space<vmem>>)
    %multiple_of3A_245 = arith.constant 488 : i32
    %multiple_of3A_246 = tpu.assume_multiple %multiple_of3A_245, 8 : i32
    %add3A_247 = arith.addi %mul3A_32, %multiple_of3A_246 : i32
    %dma_start3A_248 = arith.constant 1 : i32
    %dma_start3A_249 = arith.constant 1 : i32
    %dma_start3A_250 = arith.constant 0 : i32
    %dma_start3A_251 = arith.constant 0 : i32
    %dma_start3A_252 = tpu.memref_slice %arg6[%dma_start3A_248, %dma_start3A_250, %dma_start3A_251] : memref<6x8x2048xf32, #tpu.memory_space<vmem>> -> memref<1x8x2048xf32, #tpu.memory_space<vmem>>
    %dma_start3A_253 = tpu.memref_squeeze %dma_start3A_252 : memref<1x8x2048xf32, #tpu.memory_space<vmem>> -> memref<8x2048xf32, #tpu.memory_space<vmem>>
    %dma_start3A_254 = arith.constant 0 : i32
    %dma_start3A_255 = tpu.memref_slice %arg4[%select_n3A, %add3A_247, %dma_start3A_254] : memref<4x4096x2048xf32, #tpu.memory_space<hbm>> -> memref<1x8x2048xf32, #tpu.memory_space<hbm>>
    %dma_start3A_256 = tpu.memref_squeeze %dma_start3A_255 : memref<1x8x2048xf32, #tpu.memory_space<hbm>> -> memref<8x2048xf32, #tpu.memory_space<hbm>>
    %dma_start3A_257 = tpu.memref_slice %arg8[%dma_start3A_249] : memref<6x!tpu.dma_semaphore, #tpu.memory_space<semaphore_mem>> -> memref<1x!tpu.dma_semaphore, #tpu.memory_space<semaphore_mem>>
    %dma_start3A_258 = tpu.memref_squeeze %dma_start3A_257 : memref<1x!tpu.dma_semaphore, #tpu.memory_space<semaphore_mem>> -> memref<!tpu.dma_semaphore, #tpu.memory_space<semaphore_mem>>
    %dma_start3A_259 = arith.constant 0 : i32
    %dma_start3A_260 = tpu.memref_slice %arg4[%select_n3A, %add3A_247, %dma_start3A_259] : memref<4x4096x2048xf32, #tpu.memory_space<hbm>> -> memref<1x8x2048xf32, #tpu.memory_space<hbm>>
    %dma_start3A_261 = tpu.memref_squeeze %dma_start3A_260 : memref<1x8x2048xf32, #tpu.memory_space<hbm>> -> memref<8x2048xf32, #tpu.memory_space<hbm>>
    %dma_start3A_262 = arith.constant 0 : i32
    %dma_start3A_263 = arith.constant 0 : i32
    %dma_start3A_264 = tpu.memref_slice %arg6[%dma_start3A_248, %dma_start3A_262, %dma_start3A_263] : memref<6x8x2048xf32, #tpu.memory_space<vmem>> -> memref<1x8x2048xf32, #tpu.memory_space<vmem>>
    %dma_start3A_265 = tpu.memref_squeeze %dma_start3A_264 : memref<1x8x2048xf32, #tpu.memory_space<vmem>> -> memref<8x2048xf32, #tpu.memory_space<vmem>>
    tpu.enqueue_dma source(%dma_start3A_265 : memref<8x2048xf32, #tpu.memory_space<vmem>>) target(%dma_start3A_261 : memref<8x2048xf32, #tpu.memory_space<hbm>>) target_semaphore(%dma_start3A_258 : memref<!tpu.dma_semaphore, #tpu.memory_space<semaphore_mem>>)
    %multiple_of3A_266 = arith.constant 488 : i32
    %multiple_of3A_267 = tpu.assume_multiple %multiple_of3A_266, 8 : i32
    %add3A_268 = arith.addi %mul3A_32, %multiple_of3A_267 : i32
    %dma_wait3A_269 = arith.constant 1 : i32
    %dma_wait3A_270 = arith.constant 1 : i32
    %dma_wait3A_271 = arith.constant 0 : i32
    %dma_wait3A_272 = arith.constant 0 : i32
    %dma_wait3A_273 = tpu.memref_slice %arg6[%dma_wait3A_269, %dma_wait3A_271, %dma_wait3A_272] : memref<6x8x2048xf32, #tpu.memory_space<vmem>> -> memref<1x8x2048xf32, #tpu.memory_space<vmem>>
    %dma_wait3A_274 = tpu.memref_squeeze %dma_wait3A_273 : memref<1x8x2048xf32, #tpu.memory_space<vmem>> -> memref<8x2048xf32, #tpu.memory_space<vmem>>
    %dma_wait3A_275 = arith.constant 0 : i32
    %dma_wait3A_276 = tpu.memref_slice %arg4[%select_n3A, %add3A_268, %dma_wait3A_275] : memref<4x4096x2048xf32, #tpu.memory_space<hbm>> -> memref<1x8x2048xf32, #tpu.memory_space<hbm>>
    %dma_wait3A_277 = tpu.memref_squeeze %dma_wait3A_276 : memref<1x8x2048xf32, #tpu.memory_space<hbm>> -> memref<8x2048xf32, #tpu.memory_space<hbm>>
    %dma_wait3A_278 = tpu.memref_slice %arg8[%dma_wait3A_270] : memref<6x!tpu.dma_semaphore, #tpu.memory_space<semaphore_mem>> -> memref<1x!tpu.dma_semaphore, #tpu.memory_space<semaphore_mem>>
    %dma_wait3A_279 = tpu.memref_squeeze %dma_wait3A_278 : memref<1x!tpu.dma_semaphore, #tpu.memory_space<semaphore_mem>> -> memref<!tpu.dma_semaphore, #tpu.memory_space<semaphore_mem>>
    %dma_wait3A_280 = arith.constant 0 : i32
    %dma_wait3A_281 = tpu.memref_slice %arg4[%select_n3A, %add3A_268, %dma_wait3A_280] : memref<4x4096x2048xf32, #tpu.memory_space<hbm>> -> memref<1x8x2048xf32, #tpu.memory_space<hbm>>
    %dma_wait3A_282 = tpu.memref_squeeze %dma_wait3A_281 : memref<1x8x2048xf32, #tpu.memory_space<hbm>> -> memref<8x2048xf32, #tpu.memory_space<hbm>>
    %dma_wait3A_283 = arith.constant 0 : i32
    %dma_wait3A_284 = arith.constant 0 : i32
    %dma_wait3A_285 = tpu.memref_slice %arg6[%dma_wait3A_269, %dma_wait3A_283, %dma_wait3A_284] : memref<6x8x2048xf32, #tpu.memory_space<vmem>> -> memref<1x8x2048xf32, #tpu.memory_space<vmem>>
    %dma_wait3A_286 = tpu.memref_squeeze %dma_wait3A_285 : memref<1x8x2048xf32, #tpu.memory_space<vmem>> -> memref<8x2048xf32, #tpu.memory_space<vmem>>
    tpu.wait_dma2 semaphore(%dma_wait3A_279 : memref<!tpu.dma_semaphore, #tpu.memory_space<semaphore_mem>>) src(%dma_wait3A_286 : memref<8x2048xf32, #tpu.memory_space<vmem>>) dst(%dma_wait3A_282 : memref<8x2048xf32, #tpu.memory_space<hbm>>)
    %multiple_of3A_287 = arith.constant 496 : i32
    %multiple_of3A_288 = tpu.assume_multiple %multiple_of3A_287, 8 : i32
    %dma_wait3A_289 = arith.constant 2 : i32
    %dma_wait3A_290 = arith.constant 2 : i32
    %dma_wait3A_291 = arith.constant 0 : i32
    %dma_wait3A_292 = arith.constant 0 : i32
    %dma_wait3A_293 = tpu.memref_slice %arg6[%dma_wait3A_289, %dma_wait3A_291, %dma_wait3A_292] : memref<6x8x2048xf32, #tpu.memory_space<vmem>> -> memref<1x8x2048xf32, #tpu.memory_space<vmem>>
    %dma_wait3A_294 = tpu.memref_squeeze %dma_wait3A_293 : memref<1x8x2048xf32, #tpu.memory_space<vmem>> -> memref<8x2048xf32, #tpu.memory_space<vmem>>
    %dma_wait3A_295 = tpu.memref_slice %arg5[%multiple_of3A_288] : memref<512xi32, #tpu.memory_space<vmem>> -> memref<8xi32, #tpu.memory_space<vmem>>
    %dma_wait3A_296 = arith.constant 0 : i32
    %dma_wait3A_297 = arith.constant 0 : i32
    %dma_wait3A_298 = tpu.memref_slice %arg3[%dma_wait3A_296, %dma_wait3A_297] : memref<151936x2048xf32, #tpu.memory_space<hbm>> -> memref<151936x2048xf32, #tpu.memory_space<hbm>>
    %dma_wait3A_299 = tpu.memref_slice %arg7[%dma_wait3A_290] : memref<6x!tpu.dma_semaphore, #tpu.memory_space<semaphore_mem>> -> memref<1x!tpu.dma_semaphore, #tpu.memory_space<semaphore_mem>>
    %dma_wait3A_300 = tpu.memref_squeeze %dma_wait3A_299 : memref<1x!tpu.dma_semaphore, #tpu.memory_space<semaphore_mem>> -> memref<!tpu.dma_semaphore, #tpu.memory_space<semaphore_mem>>
    tpu.wait_indirect_dma semaphore(%dma_wait3A_300 : memref<!tpu.dma_semaphore, #tpu.memory_space<semaphore_mem>>) src(%dma_wait3A_298 : memref<151936x2048xf32, #tpu.memory_space<hbm>>) dst(%dma_wait3A_294 : memref<8x2048xf32, #tpu.memory_space<vmem>>)
    %multiple_of3A_301 = arith.constant 496 : i32
    %multiple_of3A_302 = tpu.assume_multiple %multiple_of3A_301, 8 : i32
    %add3A_303 = arith.addi %mul3A_32, %multiple_of3A_302 : i32
    %dma_start3A_304 = arith.constant 2 : i32
    %dma_start3A_305 = arith.constant 2 : i32
    %dma_start3A_306 = arith.constant 0 : i32
    %dma_start3A_307 = arith.constant 0 : i32
    %dma_start3A_308 = tpu.memref_slice %arg6[%dma_start3A_304, %dma_start3A_306, %dma_start3A_307] : memref<6x8x2048xf32, #tpu.memory_space<vmem>> -> memref<1x8x2048xf32, #tpu.memory_space<vmem>>
    %dma_start3A_309 = tpu.memref_squeeze %dma_start3A_308 : memref<1x8x2048xf32, #tpu.memory_space<vmem>> -> memref<8x2048xf32, #tpu.memory_space<vmem>>
    %dma_start3A_310 = arith.constant 0 : i32
    %dma_start3A_311 = tpu.memref_slice %arg4[%select_n3A, %add3A_303, %dma_start3A_310] : memref<4x4096x2048xf32, #tpu.memory_space<hbm>> -> memref<1x8x2048xf32, #tpu.memory_space<hbm>>
    %dma_start3A_312 = tpu.memref_squeeze %dma_start3A_311 : memref<1x8x2048xf32, #tpu.memory_space<hbm>> -> memref<8x2048xf32, #tpu.memory_space<hbm>>
    %dma_start3A_313 = tpu.memref_slice %arg8[%dma_start3A_305] : memref<6x!tpu.dma_semaphore, #tpu.memory_space<semaphore_mem>> -> memref<1x!tpu.dma_semaphore, #tpu.memory_space<semaphore_mem>>
    %dma_start3A_314 = tpu.memref_squeeze %dma_start3A_313 : memref<1x!tpu.dma_semaphore, #tpu.memory_space<semaphore_mem>> -> memref<!tpu.dma_semaphore, #tpu.memory_space<semaphore_mem>>
    %dma_start3A_315 = arith.constant 0 : i32
    %dma_start3A_316 = tpu.memref_slice %arg4[%select_n3A, %add3A_303, %dma_start3A_315] : memref<4x4096x2048xf32, #tpu.memory_space<hbm>> -> memref<1x8x2048xf32, #tpu.memory_space<hbm>>
    %dma_start3A_317 = tpu.memref_squeeze %dma_start3A_316 : memref<1x8x2048xf32, #tpu.memory_space<hbm>> -> memref<8x2048xf32, #tpu.memory_space<hbm>>
    %dma_start3A_318 = arith.constant 0 : i32
    %dma_start3A_319 = arith.constant 0 : i32
    %dma_start3A_320 = tpu.memref_slice %arg6[%dma_start3A_304, %dma_start3A_318, %dma_start3A_319] : memref<6x8x2048xf32, #tpu.memory_space<vmem>> -> memref<1x8x2048xf32, #tpu.memory_space<vmem>>
    %dma_start3A_321 = tpu.memref_squeeze %dma_start3A_320 : memref<1x8x2048xf32, #tpu.memory_space<vmem>> -> memref<8x2048xf32, #tpu.memory_space<vmem>>
    tpu.enqueue_dma source(%dma_start3A_321 : memref<8x2048xf32, #tpu.memory_space<vmem>>) target(%dma_start3A_317 : memref<8x2048xf32, #tpu.memory_space<hbm>>) target_semaphore(%dma_start3A_314 : memref<!tpu.dma_semaphore, #tpu.memory_space<semaphore_mem>>)
    %multiple_of3A_322 = arith.constant 496 : i32
    %multiple_of3A_323 = tpu.assume_multiple %multiple_of3A_322, 8 : i32
    %add3A_324 = arith.addi %mul3A_32, %multiple_of3A_323 : i32
    %dma_wait3A_325 = arith.constant 2 : i32
    %dma_wait3A_326 = arith.constant 2 : i32
    %dma_wait3A_327 = arith.constant 0 : i32
    %dma_wait3A_328 = arith.constant 0 : i32
    %dma_wait3A_329 = tpu.memref_slice %arg6[%dma_wait3A_325, %dma_wait3A_327, %dma_wait3A_328] : memref<6x8x2048xf32, #tpu.memory_space<vmem>> -> memref<1x8x2048xf32, #tpu.memory_space<vmem>>
    %dma_wait3A_330 = tpu.memref_squeeze %dma_wait3A_329 : memref<1x8x2048xf32, #tpu.memory_space<vmem>> -> memref<8x2048xf32, #tpu.memory_space<vmem>>
    %dma_wait3A_331 = arith.constant 0 : i32
    %dma_wait3A_332 = tpu.memref_slice %arg4[%select_n3A, %add3A_324, %dma_wait3A_331] : memref<4x4096x2048xf32, #tpu.memory_space<hbm>> -> memref<1x8x2048xf32, #tpu.memory_space<hbm>>
    %dma_wait3A_333 = tpu.memref_squeeze %dma_wait3A_332 : memref<1x8x2048xf32, #tpu.memory_space<hbm>> -> memref<8x2048xf32, #tpu.memory_space<hbm>>
    %dma_wait3A_334 = tpu.memref_slice %arg8[%dma_wait3A_326] : memref<6x!tpu.dma_semaphore, #tpu.memory_space<semaphore_mem>> -> memref<1x!tpu.dma_semaphore, #tpu.memory_space<semaphore_mem>>
    %dma_wait3A_335 = tpu.memref_squeeze %dma_wait3A_334 : memref<1x!tpu.dma_semaphore, #tpu.memory_space<semaphore_mem>> -> memref<!tpu.dma_semaphore, #tpu.memory_space<semaphore_mem>>
    %dma_wait3A_336 = arith.constant 0 : i32
    %dma_wait3A_337 = tpu.memref_slice %arg4[%select_n3A, %add3A_324, %dma_wait3A_336] : memref<4x4096x2048xf32, #tpu.memory_space<hbm>> -> memref<1x8x2048xf32, #tpu.memory_space<hbm>>
    %dma_wait3A_338 = tpu.memref_squeeze %dma_wait3A_337 : memref<1x8x2048xf32, #tpu.memory_space<hbm>> -> memref<8x2048xf32, #tpu.memory_space<hbm>>
    %dma_wait3A_339 = arith.constant 0 : i32
    %dma_wait3A_340 = arith.constant 0 : i32
    %dma_wait3A_341 = tpu.memref_slice %arg6[%dma_wait3A_325, %dma_wait3A_339, %dma_wait3A_340] : memref<6x8x2048xf32, #tpu.memory_space<vmem>> -> memref<1x8x2048xf32, #tpu.memory_space<vmem>>
    %dma_wait3A_342 = tpu.memref_squeeze %dma_wait3A_341 : memref<1x8x2048xf32, #tpu.memory_space<vmem>> -> memref<8x2048xf32, #tpu.memory_space<vmem>>
    tpu.wait_dma2 semaphore(%dma_wait3A_335 : memref<!tpu.dma_semaphore, #tpu.memory_space<semaphore_mem>>) src(%dma_wait3A_342 : memref<8x2048xf32, #tpu.memory_space<vmem>>) dst(%dma_wait3A_338 : memref<8x2048xf32, #tpu.memory_space<hbm>>)
    %multiple_of3A_343 = arith.constant 504 : i32
    %multiple_of3A_344 = tpu.assume_multiple %multiple_of3A_343, 8 : i32
    %dma_wait3A_345 = arith.constant 3 : i32
    %dma_wait3A_346 = arith.constant 3 : i32
    %dma_wait3A_347 = arith.constant 0 : i32
    %dma_wait3A_348 = arith.constant 0 : i32
    %dma_wait3A_349 = tpu.memref_slice %arg6[%dma_wait3A_345, %dma_wait3A_347, %dma_wait3A_348] : memref<6x8x2048xf32, #tpu.memory_space<vmem>> -> memref<1x8x2048xf32, #tpu.memory_space<vmem>>
    %dma_wait3A_350 = tpu.memref_squeeze %dma_wait3A_349 : memref<1x8x2048xf32, #tpu.memory_space<vmem>> -> memref<8x2048xf32, #tpu.memory_space<vmem>>
    %dma_wait3A_351 = tpu.memref_slice %arg5[%multiple_of3A_344] : memref<512xi32, #tpu.memory_space<vmem>> -> memref<8xi32, #tpu.memory_space<vmem>>
    %dma_wait3A_352 = arith.constant 0 : i32
    %dma_wait3A_353 = arith.constant 0 : i32
    %dma_wait3A_354 = tpu.memref_slice %arg3[%dma_wait3A_352, %dma_wait3A_353] : memref<151936x2048xf32, #tpu.memory_space<hbm>> -> memref<151936x2048xf32, #tpu.memory_space<hbm>>
    %dma_wait3A_355 = tpu.memref_slice %arg7[%dma_wait3A_346] : memref<6x!tpu.dma_semaphore, #tpu.memory_space<semaphore_mem>> -> memref<1x!tpu.dma_semaphore, #tpu.memory_space<semaphore_mem>>
    %dma_wait3A_356 = tpu.memref_squeeze %dma_wait3A_355 : memref<1x!tpu.dma_semaphore, #tpu.memory_space<semaphore_mem>> -> memref<!tpu.dma_semaphore, #tpu.memory_space<semaphore_mem>>
    tpu.wait_indirect_dma semaphore(%dma_wait3A_356 : memref<!tpu.dma_semaphore, #tpu.memory_space<semaphore_mem>>) src(%dma_wait3A_354 : memref<151936x2048xf32, #tpu.memory_space<hbm>>) dst(%dma_wait3A_350 : memref<8x2048xf32, #tpu.memory_space<vmem>>)
    %multiple_of3A_357 = arith.constant 504 : i32
    %multiple_of3A_358 = tpu.assume_multiple %multiple_of3A_357, 8 : i32
    %add3A_359 = arith.addi %mul3A_32, %multiple_of3A_358 : i32
    %dma_start3A_360 = arith.constant 3 : i32
    %dma_start3A_361 = arith.constant 3 : i32
    %dma_start3A_362 = arith.constant 0 : i32
    %dma_start3A_363 = arith.constant 0 : i32
    %dma_start3A_364 = tpu.memref_slice %arg6[%dma_start3A_360, %dma_start3A_362, %dma_start3A_363] : memref<6x8x2048xf32, #tpu.memory_space<vmem>> -> memref<1x8x2048xf32, #tpu.memory_space<vmem>>
    %dma_start3A_365 = tpu.memref_squeeze %dma_start3A_364 : memref<1x8x2048xf32, #tpu.memory_space<vmem>> -> memref<8x2048xf32, #tpu.memory_space<vmem>>
    %dma_start3A_366 = arith.constant 0 : i32
    %dma_start3A_367 = tpu.memref_slice %arg4[%select_n3A, %add3A_359, %dma_start3A_366] : memref<4x4096x2048xf32, #tpu.memory_space<hbm>> -> memref<1x8x2048xf32, #tpu.memory_space<hbm>>
    %dma_start3A_368 = tpu.memref_squeeze %dma_start3A_367 : memref<1x8x2048xf32, #tpu.memory_space<hbm>> -> memref<8x2048xf32, #tpu.memory_space<hbm>>
    %dma_start3A_369 = tpu.memref_slice %arg8[%dma_start3A_361] : memref<6x!tpu.dma_semaphore, #tpu.memory_space<semaphore_mem>> -> memref<1x!tpu.dma_semaphore, #tpu.memory_space<semaphore_mem>>
    %dma_start3A_370 = tpu.memref_squeeze %dma_start3A_369 : memref<1x!tpu.dma_semaphore, #tpu.memory_space<semaphore_mem>> -> memref<!tpu.dma_semaphore, #tpu.memory_space<semaphore_mem>>
    %dma_start3A_371 = arith.constant 0 : i32
    %dma_start3A_372 = tpu.memref_slice %arg4[%select_n3A, %add3A_359, %dma_start3A_371] : memref<4x4096x2048xf32, #tpu.memory_space<hbm>> -> memref<1x8x2048xf32, #tpu.memory_space<hbm>>
    %dma_start3A_373 = tpu.memref_squeeze %dma_start3A_372 : memref<1x8x2048xf32, #tpu.memory_space<hbm>> -> memref<8x2048xf32, #tpu.memory_space<hbm>>
    %dma_start3A_374 = arith.constant 0 : i32
    %dma_start3A_375 = arith.constant 0 : i32
    %dma_start3A_376 = tpu.memref_slice %arg6[%dma_start3A_360, %dma_start3A_374, %dma_start3A_375] : memref<6x8x2048xf32, #tpu.memory_space<vmem>> -> memref<1x8x2048xf32, #tpu.memory_space<vmem>>
    %dma_start3A_377 = tpu.memref_squeeze %dma_start3A_376 : memref<1x8x2048xf32, #tpu.memory_space<vmem>> -> memref<8x2048xf32, #tpu.memory_space<vmem>>
    tpu.enqueue_dma source(%dma_start3A_377 : memref<8x2048xf32, #tpu.memory_space<vmem>>) target(%dma_start3A_373 : memref<8x2048xf32, #tpu.memory_space<hbm>>) target_semaphore(%dma_start3A_370 : memref<!tpu.dma_semaphore, #tpu.memory_space<semaphore_mem>>)
    %multiple_of3A_378 = arith.constant 504 : i32
    %multiple_of3A_379 = tpu.assume_multiple %multiple_of3A_378, 8 : i32
    %add3A_380 = arith.addi %mul3A_32, %multiple_of3A_379 : i32
    %dma_wait3A_381 = arith.constant 3 : i32
    %dma_wait3A_382 = arith.constant 3 : i32
    %dma_wait3A_383 = arith.constant 0 : i32
    %dma_wait3A_384 = arith.constant 0 : i32
    %dma_wait3A_385 = tpu.memref_slice %arg6[%dma_wait3A_381, %dma_wait3A_383, %dma_wait3A_384] : memref<6x8x2048xf32, #tpu.memory_space<vmem>> -> memref<1x8x2048xf32, #tpu.memory_space<vmem>>
    %dma_wait3A_386 = tpu.memref_squeeze %dma_wait3A_385 : memref<1x8x2048xf32, #tpu.memory_space<vmem>> -> memref<8x2048xf32, #tpu.memory_space<vmem>>
    %dma_wait3A_387 = arith.constant 0 : i32
    %dma_wait3A_388 = tpu.memref_slice %arg4[%select_n3A, %add3A_380, %dma_wait3A_387] : memref<4x4096x2048xf32, #tpu.memory_space<hbm>> -> memref<1x8x2048xf32, #tpu.memory_space<hbm>>
    %dma_wait3A_389 = tpu.memref_squeeze %dma_wait3A_388 : memref<1x8x2048xf32, #tpu.memory_space<hbm>> -> memref<8x2048xf32, #tpu.memory_space<hbm>>
    %dma_wait3A_390 = tpu.memref_slice %arg8[%dma_wait3A_382] : memref<6x!tpu.dma_semaphore, #tpu.memory_space<semaphore_mem>> -> memref<1x!tpu.dma_semaphore, #tpu.memory_space<semaphore_mem>>
    %dma_wait3A_391 = tpu.memref_squeeze %dma_wait3A_390 : memref<1x!tpu.dma_semaphore, #tpu.memory_space<semaphore_mem>> -> memref<!tpu.dma_semaphore, #tpu.memory_space<semaphore_mem>>
    %dma_wait3A_392 = arith.constant 0 : i32
    %dma_wait3A_393 = tpu.memref_slice %arg4[%select_n3A, %add3A_380, %dma_wait3A_392] : memref<4x4096x2048xf32, #tpu.memory_space<hbm>> -> memref<1x8x2048xf32, #tpu.memory_space<hbm>>
    %dma_wait3A_394 = tpu.memref_squeeze %dma_wait3A_393 : memref<1x8x2048xf32, #tpu.memory_space<hbm>> -> memref<8x2048xf32, #tpu.memory_space<hbm>>
    %dma_wait3A_395 = arith.constant 0 : i32
    %dma_wait3A_396 = arith.constant 0 : i32
    %dma_wait3A_397 = tpu.memref_slice %arg6[%dma_wait3A_381, %dma_wait3A_395, %dma_wait3A_396] : memref<6x8x2048xf32, #tpu.memory_space<vmem>> -> memref<1x8x2048xf32, #tpu.memory_space<vmem>>
    %dma_wait3A_398 = tpu.memref_squeeze %dma_wait3A_397 : memref<1x8x2048xf32, #tpu.memory_space<vmem>> -> memref<8x2048xf32, #tpu.memory_space<vmem>>
    tpu.wait_dma2 semaphore(%dma_wait3A_391 : memref<!tpu.dma_semaphore, #tpu.memory_space<semaphore_mem>>) src(%dma_wait3A_398 : memref<8x2048xf32, #tpu.memory_space<vmem>>) dst(%dma_wait3A_394 : memref<8x2048xf32, #tpu.memory_space<hbm>>)
    %multiple_of3A_399 = arith.constant 464 : i32
    %multiple_of3A_400 = tpu.assume_multiple %multiple_of3A_399, 8 : i32
    %add3A_401 = arith.addi %mul3A_32, %multiple_of3A_400 : i32
    %dma_wait3A_402 = arith.constant 4 : i32
    %dma_wait3A_403 = arith.constant 4 : i32
    %dma_wait3A_404 = arith.constant 0 : i32
    %dma_wait3A_405 = arith.constant 0 : i32
    %dma_wait3A_406 = tpu.memref_slice %arg6[%dma_wait3A_402, %dma_wait3A_404, %dma_wait3A_405] : memref<6x8x2048xf32, #tpu.memory_space<vmem>> -> memref<1x8x2048xf32, #tpu.memory_space<vmem>>
    %dma_wait3A_407 = tpu.memref_squeeze %dma_wait3A_406 : memref<1x8x2048xf32, #tpu.memory_space<vmem>> -> memref<8x2048xf32, #tpu.memory_space<vmem>>
    %dma_wait3A_408 = arith.constant 0 : i32
    %dma_wait3A_409 = tpu.memref_slice %arg4[%select_n3A, %add3A_401, %dma_wait3A_408] : memref<4x4096x2048xf32, #tpu.memory_space<hbm>> -> memref<1x8x2048xf32, #tpu.memory_space<hbm>>
    %dma_wait3A_410 = tpu.memref_squeeze %dma_wait3A_409 : memref<1x8x2048xf32, #tpu.memory_space<hbm>> -> memref<8x2048xf32, #tpu.memory_space<hbm>>
    %dma_wait3A_411 = tpu.memref_slice %arg8[%dma_wait3A_403] : memref<6x!tpu.dma_semaphore, #tpu.memory_space<semaphore_mem>> -> memref<1x!tpu.dma_semaphore, #tpu.memory_space<semaphore_mem>>
    %dma_wait3A_412 = tpu.memref_squeeze %dma_wait3A_411 : memref<1x!tpu.dma_semaphore, #tpu.memory_space<semaphore_mem>> -> memref<!tpu.dma_semaphore, #tpu.memory_space<semaphore_mem>>
    %dma_wait3A_413 = arith.constant 0 : i32
    %dma_wait3A_414 = tpu.memref_slice %arg4[%select_n3A, %add3A_401, %dma_wait3A_413] : memref<4x4096x2048xf32, #tpu.memory_space<hbm>> -> memref<1x8x2048xf32, #tpu.memory_space<hbm>>
    %dma_wait3A_415 = tpu.memref_squeeze %dma_wait3A_414 : memref<1x8x2048xf32, #tpu.memory_space<hbm>> -> memref<8x2048xf32, #tpu.memory_space<hbm>>
    %dma_wait3A_416 = arith.constant 0 : i32
    %dma_wait3A_417 = arith.constant 0 : i32
    %dma_wait3A_418 = tpu.memref_slice %arg6[%dma_wait3A_402, %dma_wait3A_416, %dma_wait3A_417] : memref<6x8x2048xf32, #tpu.memory_space<vmem>> -> memref<1x8x2048xf32, #tpu.memory_space<vmem>>
    %dma_wait3A_419 = tpu.memref_squeeze %dma_wait3A_418 : memref<1x8x2048xf32, #tpu.memory_space<vmem>> -> memref<8x2048xf32, #tpu.memory_space<vmem>>
    tpu.wait_dma2 semaphore(%dma_wait3A_412 : memref<!tpu.dma_semaphore, #tpu.memory_space<semaphore_mem>>) src(%dma_wait3A_419 : memref<8x2048xf32, #tpu.memory_space<vmem>>) dst(%dma_wait3A_415 : memref<8x2048xf32, #tpu.memory_space<hbm>>)
    %multiple_of3A_420 = arith.constant 472 : i32
    %multiple_of3A_421 = tpu.assume_multiple %multiple_of3A_420, 8 : i32
    %add3A_422 = arith.addi %mul3A_32, %multiple_of3A_421 : i32
    %dma_wait3A_423 = arith.constant 5 : i32
    %dma_wait3A_424 = arith.constant 5 : i32
    %dma_wait3A_425 = arith.constant 0 : i32
    %dma_wait3A_426 = arith.constant 0 : i32
    %dma_wait3A_427 = tpu.memref_slice %arg6[%dma_wait3A_423, %dma_wait3A_425, %dma_wait3A_426] : memref<6x8x2048xf32, #tpu.memory_space<vmem>> -> memref<1x8x2048xf32, #tpu.memory_space<vmem>>
    %dma_wait3A_428 = tpu.memref_squeeze %dma_wait3A_427 : memref<1x8x2048xf32, #tpu.memory_space<vmem>> -> memref<8x2048xf32, #tpu.memory_space<vmem>>
    %dma_wait3A_429 = arith.constant 0 : i32
    %dma_wait3A_430 = tpu.memref_slice %arg4[%select_n3A, %add3A_422, %dma_wait3A_429] : memref<4x4096x2048xf32, #tpu.memory_space<hbm>> -> memref<1x8x2048xf32, #tpu.memory_space<hbm>>
    %dma_wait3A_431 = tpu.memref_squeeze %dma_wait3A_430 : memref<1x8x2048xf32, #tpu.memory_space<hbm>> -> memref<8x2048xf32, #tpu.memory_space<hbm>>
    %dma_wait3A_432 = tpu.memref_slice %arg8[%dma_wait3A_424] : memref<6x!tpu.dma_semaphore, #tpu.memory_space<semaphore_mem>> -> memref<1x!tpu.dma_semaphore, #tpu.memory_space<semaphore_mem>>
    %dma_wait3A_433 = tpu.memref_squeeze %dma_wait3A_432 : memref<1x!tpu.dma_semaphore, #tpu.memory_space<semaphore_mem>> -> memref<!tpu.dma_semaphore, #tpu.memory_space<semaphore_mem>>
    %dma_wait3A_434 = arith.constant 0 : i32
    %dma_wait3A_435 = tpu.memref_slice %arg4[%select_n3A, %add3A_422, %dma_wait3A_434] : memref<4x4096x2048xf32, #tpu.memory_space<hbm>> -> memref<1x8x2048xf32, #tpu.memory_space<hbm>>
    %dma_wait3A_436 = tpu.memref_squeeze %dma_wait3A_435 : memref<1x8x2048xf32, #tpu.memory_space<hbm>> -> memref<8x2048xf32, #tpu.memory_space<hbm>>
    %dma_wait3A_437 = arith.constant 0 : i32
    %dma_wait3A_438 = arith.constant 0 : i32
    %dma_wait3A_439 = tpu.memref_slice %arg6[%dma_wait3A_423, %dma_wait3A_437, %dma_wait3A_438] : memref<6x8x2048xf32, #tpu.memory_space<vmem>> -> memref<1x8x2048xf32, #tpu.memory_space<vmem>>
    %dma_wait3A_440 = tpu.memref_squeeze %dma_wait3A_439 : memref<1x8x2048xf32, #tpu.memory_space<vmem>> -> memref<8x2048xf32, #tpu.memory_space<vmem>>
    tpu.wait_dma2 semaphore(%dma_wait3A_433 : memref<!tpu.dma_semaphore, #tpu.memory_space<semaphore_mem>>) src(%dma_wait3A_440 : memref<8x2048xf32, #tpu.memory_space<vmem>>) dst(%dma_wait3A_436 : memref<8x2048xf32, #tpu.memory_space<hbm>>)
    return
  }
}

</mosaic_0001>

<sc_bundles>
// kernel: _sc_embedding_lookup.3.cloned.1.call-start
scs
__scs_entry_jumppad:
0x0: {  	(pc) =	sbr.rel $0x88, $3  }
0x1: {  	(tag) =	ssettag $0x0;
	lr =	simm.s32 $0x1  }
0x2: {  	[smem:$0x3F9F] =	sst lr;
	_ =	strace $0xD0000000  }
0x3: {  	_ = 	snop  }
0x4: {  	_ = 	snop  }
0x5: {  	_ = 	snop  }
0x6: {  	_ = 	snop  }
0x7: {  	_ = 	snop  }
__scs_overlays_trampoline_lowered:
0x8: {  	[smem:$0x3FAE] =	sst s0  }
0x9: {  	[smem:$0x3FAF] =	sst s1  }
0xa: {  	[smem:$0x3FB0] =	sst s2  }
0xb: {  	[smem:$0x3FB1] =	sst s3  }
0xc: {  	[smem:$0x3FB2] =	sst s4  }
0xd: {  	[smem:$0x3FB3] =	sst s5  }
0xe: {  	[smem:$0x3FB4] =	sst s6  }
0xf: {  	[smem:$0x3FB5] =	sst s7  }
0x10: {  	[smem:$0x3FB6] =	sst s8  }
0x11: {  	[smem:$0x3FB7] =	sst s9;
	s0 =	simm.s32 @!p0 $0x0  }
0x12: {  	s1 =	sld [smem:$0x3F9D];
	s0 =	simm.s32 @p0 $0x1  }
0x13: {  	[smem:$0x3FB8] =	sst s0;
	s0 =	simm.s32 @!p1 $0x0  }
0x14: {  	s2 =	sld [smem:$0x3F9C];
	s0 =	simm.s32 @p1 $0x1  }
0x15: {  	[smem:$0x3FB9] =	sst s0;
	s0 =	simm.s32 @!p2 $0x0  }
0x16: {  	s3 =	sld [smem:$0x3FDB];
	s0 =	simm.s32 @p2 $0x1  }
0x17: {  	s4 =	simm.s32 $0x1BF5;
	[smem:$0x3FBB] =	sst s0  }
0x18: {  	s0 =	sld [smem:$0x3F9E];
	_ =	swait.ge [sflag:s4], $0x0  }
0x19: {  	s7 =	sld [smem:$0x3F9F]  }
0x1a: {  	s8 =	sadd.s32 $0xFFFFE003, lr  }
0x1b: {  	s9 =	sadd.s32 $0xFFFFFEF7, lr;
	s5 =	simm.s32 $0xFFFFFFFF;
	p2 =	slt.u32 s8, $0xFFFFF086  }
0x1c: {  	p1 =	slt.u32 s9, $0xF7A;
	s5 =	simm.s32 @!p2 $0x0  }
0x1d: {  	s5 =	simm.s32 @p1 $0x1;
	p0 =	seq.s32 s7, s2  }
0x1e: {  	s7 =	smul.u32 @!p0 $0xF7A, s2;
	p2 =	seq.s32 @!p0 s5, $0x0  }
0x1f: {  	s9 =	smul.u32 $0xF7A, s1;
	s8 =	simm.s32 @!p0 $0x1BF5;
	p2 =	por !p2, p0  }
0x20: {  	[sflag:s8] =	ssyncset.s32 @!p0 $0xFFFFF086;
	s6 =	sadd.s32 @!p0 s3, s7;
	s7 =	simm.s32 @!p0 $0x108  }
0x21: {  	s3 =	sadd.s32 s3, s9;
	s6 =	sadd.s32 @!p0 $0x88, s6;
	s7 =	simm.s32 @p2 $0x1082  }
0x22: {  	[simem:s7], [sflag:s8] =	dma.local @!p0 [hbm:s6], $0xF7A  }
0x23: {  	s9 =	sor.u32 $0xD0000000, s2;
	s6 =	simm.s32 $0x108;
	_ =	swait.ge @!p0 [sflag:s8], $0x0  }
0x24: {  	s3 =	sadd.s32 $0x88, s3;
	s6 =	simm.s32 @!p1 $0x1082;
	[sflag:s4] =	ssyncset.s32 $0xFFFFF086  }
0x25: {  	[simem:s6], [sflag:s4] =	dma.local [hbm:s3], $0xF7A  }
0x26: {  	[smem:$0x3F9F] =	sst s1;
	(tag) =	ssettag s2;
	_ =	strace s9  }
0x27: {  	s1 =	sld [smem:$0x3FAF]  }
0x28: {  	s2 =	sld [smem:$0x3FB0]  }
0x29: {  	s4 =	sld [smem:$0x3FB2]  }
0x2a: {  	p0 =	seq.s32 s5, $0x0;
	s5 =	sld [smem:$0x3FB3]  }
0x2b: {  	s6 =	sld [smem:$0x3FB4]  }
0x2c: {  	s7 =	sld [smem:$0x3FB5]  }
0x2d: {  	s3 =	simm.s32 $0x108;
	s8 =	sld [smem:$0x3FB6]  }
0x2e: {  	s3 =	simm.s32 @!p0 $0x1082;
	s9 =	sld [smem:$0x3FB7]  }
0x2f: {  	lr =	sadd.s32 s0, s3;
	s0 =	sld [smem:$0x3FAE]  }
0x30: {  	s3 =	sld [smem:$0x3FB1]  }
0x31: {  	[smem:$0x3FBA] =	sst s10  }
0x32: {  	s10 =	sld [smem:$0x3FB8];
	_ =	sdelay $0x3  }
0x33: {  	p0 =	seq.s32 s10, $0x1;
	s10 =	sld [smem:$0x3FBA];
	_ =	sdelay $0x3  }
0x34: {  	[smem:$0x3FBA] =	sst s10  }
0x35: {  	s10 =	sld [smem:$0x3FB9];
	_ =	sdelay $0x3  }
0x36: {  	p1 =	seq.s32 s10, $0x1;
	s10 =	sld [smem:$0x3FBA];
	_ =	sdelay $0x3  }
0x37: {  	[smem:$0x3FBA] =	sst s10  }
0x38: {  	s10 =	sld [smem:$0x3FBB]  }
0x39: {  	_ = 	snop;
	(pc) =	sbr.ind lr, $3  }
0x3a: {  	_ = 	snop  }
0x3b: {  	_ = 	snop  }
0x3c: {  	p2 =	seq.s32 s10, $0x1;
	s10 =	sld [smem:$0x3FBA]  }
0x3d: {  	_ =	shalt  }
0x3e: {  	_ =	shalt  }
0x3f: {  	_ =	shalt  }
0x40: {  	_ =	shalt  }
0x41: {  	_ =	shalt  }
0x42: {  	_ =	shalt  }
0x43: {  	_ =	shalt  }
0x44: {  	_ =	shalt  }
0x45: {  	_ =	shalt  }
0x46: {  	_ =	shalt  }
0x47: {  	_ =	shalt  }
0x48: {  	_ =	shalt  }
0x49: {  	_ =	shalt  }
0x4a: {  	_ =	shalt  }
0x4b: {  	_ =	shalt  }
0x4c: {  	_ =	shalt  }
0x4d: {  	_ =	shalt  }
0x4e: {  	_ =	shalt  }
0x4f: {  	_ =	shalt  }
0x50: {  	_ =	shalt  }
0x51: {  	_ =	shalt  }
0x52: {  	_ =	shalt  }
0x53: {  	_ =	shalt  }
0x54: {  	_ =	shalt  }
0x55: {  	_ =	shalt  }
0x56: {  	_ =	shalt  }
0x57: {  	_ =	shalt  }
0x58: {  	_ =	shalt  }
0x59: {  	_ =	shalt  }
0x5a: {  	_ =	shalt  }
0x5b: {  	_ =	shalt  }
0x5c: {  	_ =	shalt  }
0x5d: {  	_ =	shalt  }
0x5e: {  	_ =	shalt  }
0x5f: {  	_ =	shalt  }
0x60: {  	_ =	shalt  }
0x61: {  	_ =	shalt  }
0x62: {  	_ =	shalt  }
0x63: {  	_ =	shalt  }
0x64: {  	_ =	shalt  }
0x65: {  	_ =	shalt  }
0x66: {  	_ =	shalt  }
0x67: {  	_ =	shalt  }
0x68: {  	_ =	shalt  }
0x69: {  	_ =	shalt  }
0x6a: {  	_ =	shalt  }
0x6b: {  	_ =	shalt  }
0x6c: {  	_ =	shalt  }
0x6d: {  	_ =	shalt  }
0x6e: {  	_ =	shalt  }
0x6f: {  	_ =	shalt  }
0x70: {  	_ =	shalt  }
0x71: {  	_ =	shalt  }
0x72: {  	_ =	shalt  }
0x73: {  	_ =	shalt  }
0x74: {  	_ =	shalt  }
0x75: {  	_ =	shalt  }
0x76: {  	_ =	shalt  }
0x77: {  	_ =	shalt  }
0x78: {  	_ =	shalt  }
0x79: {  	_ =	shalt  }
0x7a: {  	_ =	shalt  }
0x7b: {  	_ =	shalt  }
0x7c: {  	_ =	shalt  }
0x7d: {  	_ =	shalt  }
0x7e: {  	_ =	shalt  }
0x7f: {  	_ =	shalt  }
0x80: {  	_ =	shalt  }
0x81: {  	_ =	shalt  }
0x82: {  	_ =	shalt  }
0x83: {  	_ =	shalt  }
0x84: {  	_ =	shalt  }
0x85: {  	_ =	shalt  }
0x86: {  	_ =	shalt  }
0x87: {  	_ =	shalt  }
.Lfunc_end0:
.L_simem_size_0:
called_computation_lowered:
.L_overlay_start_0:
0x88: {  	s2 =	sld [smem:$0x3FD9]  }
0x89: {  	s3 =	sld [smem:$0x3FFE];
	_ =	sdelay $0x1  }
0x8a: {  	s1 =	srdreg.scid  }
0x8b: {  	s0 =	sand.u32 $0x1, s1  }
0x8c: {  	s18 =	sshll.u32 s0, $0xA;
	s2 =	sadd.s32 s3, s2  }
0x8d: {  	s2 =	sadd.s32 s2, s18  }
0x8e: {  	[smem:$0x3FC6] =	sst s2  }
0x8f: {  	_ = 	snop  }
0x90: {  	s2 =	sld [smem:$0x3FC9]  }
0x91: {  	s19 =	sld [smem:$0x3FC8]  }
0x92: {  	s4 =	sld [smem:$0x3FD0];
	(tm) =	ssettm $0x1  }
0x93: {  	s5 =	sld [smem:$0x3FFB];
	_ =	sdelay $0x3  }
0x94: {  	_ =	strace s5  }
0x95: {  	s5 =	sld [smem:$0x3FFC];
	_ =	sdelay $0x3  }
0x96: {  	_ =	strace s5  }
0x97: {  	s5 =	sld [smem:$0x3FFD];
	_ =	sdelay $0x3  }
0x98: {  	_ =	strace s5  }
0x99: {  	_ =	strace $0x8FFFFFFF  }
0x9a: {  	s20 =	sld [smem:$0x3FDB];
	_ =	sdelay $0x1  }
0x9b: {  	s6 =	simm.s32 $_scs_section_size  }
0x9c: {  	s7 =	simm.s32 $_size__tile_overlayer_lowered;
	s8 =	simm.s32 $_tile_overlayer_lowered  }
0x9d: {  	s23 =	simm.s32 $0x1BFF;
	s22 =	sshll.u32 s8, $0x1;
	s5 =	sadd.s32 s6, s20  }
0x9e: {  	s9 =	simm.s32 $0x0;
	s21 =	sshll.u32 s7, $0x1;
	s7 =	sadd.s32 s22, s5  }
0x9f: {  	[timem:s9], [sflag:s23] =	dma.local [hbm:s7], s21  }
0xa0: {  	_ =	swait.ge [sflag:s23], s21  }
0xa1: {  	s6 =	ssub.s32 $0x0, s21;
	[sflag:s23] =	ssyncset.done $0x0  }
0xa2: {  	[sflag:s23] =	ssyncadd.s32 s6;
	_ =	sdelay $0x1  }
0xa3: {  	s24 =	simm.s32 $0x1B8B  }
0xa4: {  	_ =	swait.ge [sflag:s24], $0x1  }
0xa5: {  	[sflag:s24] =	ssyncset.done $0x0  }
0xa6: {  	s25 =	simm.s32 $0x1B8E;
	[sflag:s24] =	ssyncadd.s32 $0xFFFFFFFF  }
0xa7: {  	s26 =	simm.s32 $execute0_lowered;
	[smem:$0x3FD2] =	sst s25  }
0xa8: {  	s6 =	sshll.u32 s26, $0x1;
	_ =	strace $0x80000046;
	[dreg:$0x1] =	wrdreg $0xFFFFFFFF  }
0xa9: {  	s28 =	simm.s32 $_size_execute0_lowered;
	s5 =	sadd.s32 s5, s6;
	[dreg:$0x0] =	wrdreg $0x0  }
0xaa: {  	s6 =	sshll.u32 s28, $0x1;
	[dreg:$0x2] =	wrdreg s5  }
0xab: {  	[dreg:$0x3] =	wrdreg s6  }
0xac: {  	[dreg:$0x4] =	wrdreg $0xC0  }
0xad: {  	_ =	task [dreg:s9], $0x5FFFF  }
0xae: {  	[dreg:$0x1] =	wrdreg $0xFFFFFFFF  }
0xaf: {  	[dreg:$0x0] =	wrdreg $0x60  }
0xb0: {  	[dreg:$0x2] =	wrdreg s2  }
0xb1: {  	[dreg:$0x3] =	wrdreg s19  }
0xb2: {  	[dreg:$0x4] =	wrdreg s4  }
0xb3: {  	[dreg:$0x5] =	wrdreg $0x9  }
0xb4: {  	_ =	task.clear_ibuf [dreg:s9], $0x6FFFF;
	_ =	strace $0x90000046  }
0xb5: {  	s29 =	simm.s32 $0x9;
	_ =	strace $0x80000048  }
0xb6: {  	_ =	swait.ge [sflag:s29], $0x1  }
0xb7: {  	[sflag:s29] =	ssyncadd.s32 $0xFFFFFFFF  }
0xb8: {  	_ =	strace $0x90000048  }
0xb9: {  	_ =	sfence  }
0xba: {  	s30 =	sld [smem:$0x0];
	_ =	sdelay $0x2  }
0xbb: {  	s31 =	sshll.u32 s1, $0xD;
	s1 =	sshrl.u32 s1, $0x2  }
0xbc: {  	s3 =	sand.u32 $0x4000, s31;
	s1 =	sadd.s32 s1, s30  }
0xbd: {  	s0 =	sor.u32 s3, s0;
	s1 =	sshll.u32 s1, $0x11  }
0xbe: {  	s0 =	sor.u32 s1, s0  }
0xbf: {  	s0 =	sadd.s32 $0x8F2B, s0  }
0xc0: {  	[sflag:s0] =	ssyncadd.remote.s32 $0x1  }
0xc1: {  	_ =	sfence.sel $0xFFFF  }
0xc2: {  	[dreg:$0x0] =	wrdreg $0xFFFFFFFF;
	(pc) =	sbr.abs _section_cstart, $3  }
0xc3: {  	[dreg:$0x1] =	wrdreg $0xFFFFFFFF  }
0xc4: {  	_ =	task.clear_ibuf [dreg:s9], $0x2FFFF;
	_ =	strace $0x9FFFFFFF  }
0xc5: {  	(tm) =	ssettm $0x7FFFFFFF  }
tec
execute0_lowered:
.L_overlay_start_1:
0x0: {  	(tag) =	ssettag $0x1  }
0x1: {  	s0 =	rddreg [dreg:$0x0]  }
0x2: {  	s1 =	rddreg [dreg:$0x1]  }
0x3: {  	s2 =	rddreg [dreg:$0x2]  }
0x4: {  	s3 =	simm.s32 $0x0;
	s4 =	srdreg.scid;
	s9 =	stileid.u32  }
0x5: {  	s28 =	simm.s32 $0x4200;
	s29 =	simm.s32 $0x2A00;
	s30 =	simm.s32 $0x3200  }
0x6: {  	s31 =	simm.s32 $0x3A00;
	[smem:$0x7FF] =	sst s3;
	s4 =	sand.u32 $0x1, s4  }
0x7: {  	s5 =	sshll.u32 s9, $0x1;
	s7 =	sshrl.u32 s9, $0x2;
	s23 =	sand.u32 $0x3, s9  }
0x8: {  	s9 =	sadd.s32 $0x500, s1;
	s10 =	sadd.s32 $0x600, s1;
	_ =	strace $0x80000047  }
0x9: {  	s6 =	ssub.s32 $0x2, s4;
	s5 =	sand.u32 $0x6, s5;
	s21 =	sshll.u32 s7, $0x4  }
0xa: {  	s13 =	sshll.u32 s7, $0x17;
	s8 =	sshrl.u32 s6, $0x1;
	s11 =	sor.u32 s4, s5  }
0xb: {  	s0 =	sadd.s32 s0, s21;
	s4 =	sshll.u32 s4, $0x14;
	s22 =	sshll.u32 s11, $0x8  }
0xc: {  	s12 =	ssub.s32 s6, s8;
	s24 =	sshll.u32 s11, $0x14;
	s0 =	sadd.s32 s22, s0  }
0xd: {  	s22 =	simm.s32 $0x10A00;
	[dreg:$0x18] =	wrdreg s0;
	s0 =	sshll.u32 s23, $0x15  }
0xe: {  	[dreg:$0xa] =	wrdreg s22;
	s23 =	simm.s32 $0x11200;
	s0 =	sor.u32 s0, s13  }
0xf: {  	s22 =	simm.s32 $0x16200;
	[dreg:$0xb] =	wrdreg s23;
	s0 =	sor.u32 s4, s0  }
0x10: {  	[dreg:$0x14] =	wrdreg s22;
	s4 =	sor.u32 s13, s24;
	s14 =	sor.u32 $0x14000, s0  }
0x11: {  	s26 =	sshrl.u32 s0, $0x3;
	s15 =	sor.u32 $0x10000, s0;
	s18 =	sor.u32 $0xC000, s0  }
0x12: {  	s20 =	sor.u32 $0x4000, s0;
	s25 =	sshrl.u32 s14, $0x3;
	s14 =	sadd.s32 s26, s2  }
0x13: {  	s16 =	sshrl.u32 s15, $0x3;
	s15 =	smax.u32 s12, $0x1;
	[dreg:$0x5] =	wrdreg s14  }
0x14: {  	s0 =	sor.u32 $0x8000, s0;
	s13 =	sadd.s32 s25, s2;
	[dreg:$0x1d] =	wrdreg s15  }
0x15: {  	s0 =	sshrl.u32 s0, $0x3;
	s17 =	sadd.s32 s16, s2;
	[dreg:$0x4] =	wrdreg s13  }
0x16: {  	s7 =	sadd.s32 $0x300, s1;
	s0 =	sadd.s32 s0, s2;
	[dreg:$0x6] =	wrdreg s17  }
0x17: {  	s5 =	sadd.s32 $0x100, s1;
	s25 =	simm.s32 $0x11A00;
	[dreg:$0x9] =	wrdreg s0  }
0x18: {  	s19 =	sshrl.u32 s18, $0x3;
	s16 =	simm.s32 $0x13200;
	[dreg:$0xc] =	wrdreg s25  }
0x19: {  	s14 =	sshrl.u32 s20, $0x3;
	s20 =	simm.s32 $0x15200;
	[dreg:$0xf] =	wrdreg s16  }
0x1a: {  	s6 =	sadd.s32 $0x200, s1;
	s13 =	sadd.s32 s19, s2;
	[dreg:$0x12] =	wrdreg s20  }
0x1b: {  	s8 =	sadd.s32 $0x400, s1;
	s21 =	sadd.s32 s14, s2;
	[dreg:$0x7] =	wrdreg s13  }
0x1c: {  	s11 =	sadd.s32 $0x700, s1;
	s14 =	simm.s32 $0x12A00;
	[dreg:$0x8] =	wrdreg s21  }
0x1d: {  	s23 =	simm.s32 $0xA00;
	s17 =	simm.s32 $0x13A00;
	[dreg:$0xe] =	wrdreg s14  }
0x1e: {  	s4 =	sshrl.u32 s4, $0x3;
	s19 =	simm.s32 $0x14A00;
	[dreg:$0x10] =	wrdreg s17  }
0x1f: {  	s2 =	sadd.s32 s4, s2;
	s25 =	simm.s32 $0x17200;
	[dreg:$0x11] =	wrdreg s19  }
0x20: {  	s22 =	simm.s32 $0xC200;
	s4 =	sadd.s32 $0x1E000, s2;
	[dreg:$0x16] =	wrdreg s25  }
0x21: {  	s18 =	simm.s32 $0x200;
	s24 =	sadd.s32 $0x1E800, s2;
	[dreg:$0x19] =	wrdreg s4  }
0x22: {  	s12 =	simm.s32 $0x8200;
	s26 =	sadd.s32 $0x1F000, s2;
	[dreg:$0x1a] =	wrdreg s24  }
0x23: {  	s15 =	simm.s32 $0x5;
	s2 =	sadd.s32 $0x1F800, s2;
	[dreg:$0x1b] =	wrdreg s26  }
0x24: {  	s0 =	simm.s32 $0x10200;
	s13 =	simm.s32 $0x12200;
	[dreg:$0x1c] =	wrdreg s2  }
0x25: {  	s16 =	simm.s32 $0x6;
	s21 =	simm.s32 $0x15A00;
	[dreg:$0xd] =	wrdreg s13  }
0x26: {  	s17 =	simm.s32 $0x1;
	s14 =	simm.s32 $0x4;
	[dreg:$0x13] =	wrdreg s21  }
0x27: {  	v0 =	vlaneseq.u32;
	s24 =	simm.s32 $0x16A00;
	s26 =	simm.s32 $0x17A00;
	s2 =	simm.s32 $0x14200  }
0x28: {  	v1 =	vshrl.u32 v0, $0x3;
	s4 =	simm.s32 $0x2;
	s13 =	simm.s32 $0x3;
	[dreg:$0x15] =	wrdreg s24  }
0x29: {  	vm0 =	vmmov $0xffff;
	v0 =	vand.u32 $0x7, v0;
	v1 =	vmul.u32 $0x8, v1;
	s21 =	simm.s32 $0x0;
	[dreg:$0x17] =	wrdreg s26;
	s26 =	simm.s32 $0x2200  }
.LBB2_1:
0x2a: {  	[dreg:$0x1e] =	wrdreg s21  }
0x2b: {  	s19 =	rddreg [dreg:$0x18];
	s20 =	simm.s32 $0x80;
	s21 =	simm.s32 $0xD  }
0x2c: {  	[tilespmem:s3], [sflag:$0xD] =	stream.strided.gather [hbm4b:s19+s20], $0x200, s18, s20, $0x38;
	[tilespmem:$0x18200] =	vst v63  }
0x2d: {  	_ =	swait.ge [sflag:s21], $0x200  }
0x2e: {  	s24 =	simm.s32 $0x1200;
	s25 =	simm.s32 $0x1A00;
	[sflag:s21] =	ssyncset.done $0x0  }
0x2f: {  	s19 =	simm.s32 $0x18;
	s20 =	simm.s32 $0x0;
	[sflag:s21] =	ssyncadd.s32 $0xFFFFFE00  }
.LBB2_2:
0x30: {  	p0 =	seq.s32 s20, $0x0  }
0x31: {  	s21 =	simm.s32 @!p0 $0x7  }
0x32: {  	_ =	swait.ge @!p0 [sflag:s21], $0x4000  }
0x33: {  	[sflag:s21] =	ssyncset.done @!p0 $0x0  }
0x34: {  	[sflag:s21] =	ssyncadd.s32 @!p0 $0xFFFFC000  }
0x35: {  	v2 =	vld.msk [tilespmem:s19+$0xFFFFFFE8], $0xff;
	_ =	sdelay $0x4  }
0x36: {  	v3 =	vshll.u32 v2, $0x4  }
0x37: {  	v2 =	vand.u32 $0x7, v2;
	v3 =	vand.u32 $0xFFFFFF80, v3  }
0x38: {  	v2 =	vor.u32 v2, v3  }
0x39: {  	v2 =	vperm.xlane v2, v0;
	_ =	sdelay $0x1  }
0x3a: {  	v2 =	vadd.s32 v1, v2;
	_ =	sdelay $0x4  }
0x3b: {  	[tilespmem:s18], [sflag:$0x1] =	stream.indirect_vreg.gather [hbm4b:s1+s3], $0x80, v2, vm0, $0xb8;
	[tilespmem:$0x18200] =	vst v63  }
0x3c: {  	_ = 	snop  }
0x3d: {  	[tilespmem:s23], [sflag:$0x1] =	stream.indirect_vreg.gather [hbm4b:s5+s3], $0x80, v2, vm0, $0xb8;
	[tilespmem:$0x18200] =	vst v63  }
0x3e: {  	_ = 	snop  }
0x3f: {  	[tilespmem:s24], [sflag:$0x1] =	stream.indirect_vreg.gather [hbm4b:s6+s3], $0x80, v2, vm0, $0xb8;
	[tilespmem:$0x18200] =	vst v63  }
0x40: {  	_ = 	snop  }
0x41: {  	[tilespmem:s25], [sflag:$0x1] =	stream.indirect_vreg.gather [hbm4b:s7+s3], $0x80, v2, vm0, $0xb8;
	[tilespmem:$0x18200] =	vst v63  }
0x42: {  	_ = 	snop  }
0x43: {  	[tilespmem:s26], [sflag:$0x1] =	stream.indirect_vreg.gather [hbm4b:s8+s3], $0x80, v2, vm0, $0xb8;
	[tilespmem:$0x18200] =	vst v63  }
0x44: {  	_ = 	snop  }
0x45: {  	[tilespmem:s29], [sflag:$0x1] =	stream.indirect_vreg.gather [hbm4b:s9+s3], $0x80, v2, vm0, $0xb8;
	[tilespmem:$0x18200] =	vst v63  }
0x46: {  	_ = 	snop  }
0x47: {  	[tilespmem:s30], [sflag:$0x1] =	stream.indirect_vreg.gather [hbm4b:s10+s3], $0x80, v2, vm0, $0xb8;
	[tilespmem:$0x18200] =	vst v63  }
0x48: {  	s21 =	simm.s32 @!p0 $0x8  }
0x49: {  	[tilespmem:s31], [sflag:$0x1] =	stream.indirect_vreg.gather [hbm4b:s11+s3], $0x80, v2, vm0, $0xb8;
	[tilespmem:$0x18200] =	vst v63  }
0x4a: {  	_ =	swait.ge @!p0 [sflag:s21], $0x4000  }
0x4b: {  	[sflag:s21] =	ssyncset.done @!p0 $0x0  }
0x4c: {  	[sflag:s21] =	ssyncadd.s32 @!p0 $0xFFFFC000  }
0x4d: {  	v2 =	vld.msk [tilespmem:s19+$0xFFFFFFF0], $0xff;
	_ =	sdelay $0x4  }
0x4e: {  	v3 =	vshll.u32 v2, $0x4  }
0x4f: {  	v2 =	vand.u32 $0x7, v2;
	v3 =	vand.u32 $0xFFFFFF80, v3  }
0x50: {  	v2 =	vor.u32 v2, v3  }
0x51: {  	v2 =	vperm.xlane v2, v0;
	_ =	sdelay $0x1  }
0x52: {  	v2 =	vadd.s32 v1, v2;
	_ =	sdelay $0x4  }
0x53: {  	[tilespmem:s28], [sflag:$0x2] =	stream.indirect_vreg.gather [hbm4b:s1+s3], $0x80, v2, vm0, $0xb8;
	[tilespmem:$0x18200] =	vst v63  }
0x54: {  	s23 =	simm.s32 $0x4A00  }
0x55: {  	[tilespmem:s23], [sflag:$0x2] =	stream.indirect_vreg.gather [hbm4b:s5+s3], $0x80, v2, vm0, $0xb8;
	[tilespmem:$0x18200] =	vst v63  }
0x56: {  	s23 =	simm.s32 $0x5200  }
0x57: {  	[tilespmem:s23], [sflag:$0x2] =	stream.indirect_vreg.gather [hbm4b:s6+s3], $0x80, v2, vm0, $0xb8;
	[tilespmem:$0x18200] =	vst v63  }
0x58: {  	s23 =	simm.s32 $0x5A00  }
0x59: {  	[tilespmem:s23], [sflag:$0x2] =	stream.indirect_vreg.gather [hbm4b:s7+s3], $0x80, v2, vm0, $0xb8;
	[tilespmem:$0x18200] =	vst v63  }
0x5a: {  	s23 =	simm.s32 $0x6200  }
0x5b: {  	[tilespmem:s23], [sflag:$0x2] =	stream.indirect_vreg.gather [hbm4b:s8+s3], $0x80, v2, vm0, $0xb8;
	[tilespmem:$0x18200] =	vst v63  }
0x5c: {  	s23 =	simm.s32 $0x6A00  }
0x5d: {  	[tilespmem:s23], [sflag:$0x2] =	stream.indirect_vreg.gather [hbm4b:s9+s3], $0x80, v2, vm0, $0xb8;
	[tilespmem:$0x18200] =	vst v63  }
0x5e: {  	s23 =	simm.s32 $0x7200  }
0x5f: {  	[tilespmem:s23], [sflag:$0x2] =	stream.indirect_vreg.gather [hbm4b:s10+s3], $0x80, v2, vm0, $0xb8;
	[tilespmem:$0x18200] =	vst v63  }
0x60: {  	s21 =	simm.s32 @!p0 $0x9;
	s23 =	simm.s32 $0x7A00  }
0x61: {  	[tilespmem:s23], [sflag:$0x2] =	stream.indirect_vreg.gather [hbm4b:s11+s3], $0x80, v2, vm0, $0xb8;
	[tilespmem:$0x18200] =	vst v63  }
0x62: {  	_ =	swait.ge @!p0 [sflag:s21], $0x4000  }
0x63: {  	[sflag:s21] =	ssyncset.done @!p0 $0x0  }
0x64: {  	[sflag:s21] =	ssyncadd.s32 @!p0 $0xFFFFC000  }
0x65: {  	v2 =	vld.msk [tilespmem:s19+$0xFFFFFFF8], $0xff;
	_ =	sdelay $0x4  }
0x66: {  	v3 =	vshll.u32 v2, $0x4  }
0x67: {  	v2 =	vand.u32 $0x7, v2;
	v3 =	vand.u32 $0xFFFFFF80, v3  }
0x68: {  	v2 =	vor.u32 v2, v3  }
0x69: {  	v2 =	vperm.xlane v2, v0;
	_ =	sdelay $0x1  }
0x6a: {  	v2 =	vadd.s32 v1, v2;
	_ =	sdelay $0x4  }
0x6b: {  	[tilespmem:s12], [sflag:$0x3] =	stream.indirect_vreg.gather [hbm4b:s1+s3], $0x80, v2, vm0, $0xb8;
	[tilespmem:$0x18200] =	vst v63  }
0x6c: {  	s23 =	simm.s32 $0x8A00  }
0x6d: {  	[tilespmem:s23], [sflag:$0x3] =	stream.indirect_vreg.gather [hbm4b:s5+s3], $0x80, v2, vm0, $0xb8;
	[tilespmem:$0x18200] =	vst v63  }
0x6e: {  	s23 =	simm.s32 $0x9200  }
0x6f: {  	[tilespmem:s23], [sflag:$0x3] =	stream.indirect_vreg.gather [hbm4b:s6+s3], $0x80, v2, vm0, $0xb8;
	[tilespmem:$0x18200] =	vst v63  }
0x70: {  	s23 =	simm.s32 $0x9A00  }
0x71: {  	[tilespmem:s23], [sflag:$0x3] =	stream.indirect_vreg.gather [hbm4b:s7+s3], $0x80, v2, vm0, $0xb8;
	[tilespmem:$0x18200] =	vst v63  }
0x72: {  	s23 =	simm.s32 $0xA200  }
0x73: {  	[tilespmem:s23], [sflag:$0x3] =	stream.indirect_vreg.gather [hbm4b:s8+s3], $0x80, v2, vm0, $0xb8;
	[tilespmem:$0x18200] =	vst v63  }
0x74: {  	s23 =	simm.s32 $0xAA00  }
0x75: {  	[tilespmem:s23], [sflag:$0x3] =	stream.indirect_vreg.gather [hbm4b:s9+s3], $0x80, v2, vm0, $0xb8;
	[tilespmem:$0x18200] =	vst v63  }
0x76: {  	s23 =	simm.s32 $0xB200  }
0x77: {  	[tilespmem:s23], [sflag:$0x3] =	stream.indirect_vreg.gather [hbm4b:s10+s3], $0x80, v2, vm0, $0xb8;
	[tilespmem:$0x18200] =	vst v63  }
0x78: {  	s21 =	simm.s32 @!p0 $0xA;
	s23 =	simm.s32 $0xBA00  }
0x79: {  	[tilespmem:s23], [sflag:$0x3] =	stream.indirect_vreg.gather [hbm4b:s11+s3], $0x80, v2, vm0, $0xb8;
	[tilespmem:$0x18200] =	vst v63  }
0x7a: {  	_ =	swait.ge @!p0 [sflag:s21], $0x4000  }
0x7b: {  	[sflag:s21] =	ssyncset.done @!p0 $0x0  }
0x7c: {  	[sflag:s21] =	ssyncadd.s32 @!p0 $0xFFFFC000  }
0x7d: {  	v2 =	vld.msk [tilespmem:s19+$0x0], $0xff;
	_ =	sdelay $0x4  }
0x7e: {  	v3 =	vshll.u32 v2, $0x4  }
0x7f: {  	v2 =	vand.u32 $0x7, v2;
	v3 =	vand.u32 $0xFFFFFF80, v3  }
0x80: {  	v2 =	vor.u32 v2, v3  }
0x81: {  	v2 =	vperm.xlane v2, v0;
	_ =	sdelay $0x1  }
0x82: {  	v2 =	vadd.s32 v1, v2;
	_ =	sdelay $0x4  }
0x83: {  	[tilespmem:s22], [sflag:$0x4] =	stream.indirect_vreg.gather [hbm4b:s1+s3], $0x80, v2, vm0, $0xb8;
	[tilespmem:$0x18200] =	vst v63  }
0x84: {  	s23 =	simm.s32 $0xCA00  }
0x85: {  	[tilespmem:s23], [sflag:$0x4] =	stream.indirect_vreg.gather [hbm4b:s5+s3], $0x80, v2, vm0, $0xb8;
	[tilespmem:$0x18200] =	vst v63  }
0x86: {  	s23 =	simm.s32 $0xD200  }
0x87: {  	[tilespmem:s23], [sflag:$0x4] =	stream.indirect_vreg.gather [hbm4b:s6+s3], $0x80, v2, vm0, $0xb8;
	[tilespmem:$0x18200] =	vst v63  }
0x88: {  	s23 =	simm.s32 $0xDA00  }
0x89: {  	[tilespmem:s23], [sflag:$0x4] =	stream.indirect_vreg.gather [hbm4b:s7+s3], $0x80, v2, vm0, $0xb8;
	[tilespmem:$0x18200] =	vst v63  }
0x8a: {  	s23 =	simm.s32 $0xE200  }
0x8b: {  	[tilespmem:s23], [sflag:$0x4] =	stream.indirect_vreg.gather [hbm4b:s8+s3], $0x80, v2, vm0, $0xb8;
	[tilespmem:$0x18200] =	vst v63  }
0x8c: {  	s23 =	simm.s32 $0xEA00  }
0x8d: {  	[tilespmem:s23], [sflag:$0x4] =	stream.indirect_vreg.gather [hbm4b:s9+s3], $0x80, v2, vm0, $0xb8;
	[tilespmem:$0x18200] =	vst v63  }
0x8e: {  	s23 =	simm.s32 $0xF200  }
0x8f: {  	[tilespmem:s23], [sflag:$0x4] =	stream.indirect_vreg.gather [hbm4b:s10+s3], $0x80, v2, vm0, $0xb8;
	[tilespmem:$0x18200] =	vst v63  }
0x90: {  	s21 =	simm.s32 @!p0 $0xB;
	s23 =	simm.s32 $0xFA00  }
0x91: {  	[tilespmem:s23], [sflag:$0x4] =	stream.indirect_vreg.gather [hbm4b:s11+s3], $0x80, v2, vm0, $0xb8;
	[tilespmem:$0x18200] =	vst v63  }
0x92: {  	_ =	swait.ge @!p0 [sflag:s21], $0x4000  }
0x93: {  	[sflag:s21] =	ssyncset.done @!p0 $0x0  }
0x94: {  	[sflag:s21] =	ssyncadd.s32 @!p0 $0xFFFFC000  }
0x95: {  	v2 =	vld.msk [tilespmem:s19+$0x8], $0xff;
	_ =	sdelay $0x4  }
0x96: {  	v3 =	vshll.u32 v2, $0x4  }
0x97: {  	v2 =	vand.u32 $0x7, v2;
	v3 =	vand.u32 $0xFFFFFF80, v3  }
0x98: {  	v2 =	vor.u32 v2, v3  }
0x99: {  	v2 =	vperm.xlane v2, v0;
	_ =	sdelay $0x1  }
0x9a: {  	v2 =	vadd.s32 v1, v2;
	_ =	sdelay $0x4  }
0x9b: {  	[tilespmem:s0], [sflag:$0x5] =	stream.indirect_vreg.gather [hbm4b:s1+s3], $0x80, v2, vm0, $0xb8;
	[tilespmem:$0x18200] =	vst v63  }
0x9c: {  	s21 =	rddreg [dreg:$0xa]  }
0x9d: {  	[tilespmem:s21], [sflag:$0x5] =	stream.indirect_vreg.gather [hbm4b:s5+s3], $0x80, v2, vm0, $0xb8;
	[tilespmem:$0x18200] =	vst v63  }
0x9e: {  	s23 =	rddreg [dreg:$0xb]  }
0x9f: {  	[tilespmem:s23], [sflag:$0x5] =	stream.indirect_vreg.gather [hbm4b:s6+s3], $0x80, v2, vm0, $0xb8;
	[tilespmem:$0x18200] =	vst v63  }
0xa0: {  	s21 =	rddreg [dreg:$0xc]  }
0xa1: {  	[tilespmem:s21], [sflag:$0x5] =	stream.indirect_vreg.gather [hbm4b:s7+s3], $0x80, v2, vm0, $0xb8;
	[tilespmem:$0x18200] =	vst v63  }
0xa2: {  	s23 =	rddreg [dreg:$0xd]  }
0xa3: {  	[tilespmem:s23], [sflag:$0x5] =	stream.indirect_vreg.gather [hbm4b:s8+s3], $0x80, v2, vm0, $0xb8;
	[tilespmem:$0x18200] =	vst v63  }
0xa4: {  	s21 =	rddreg [dreg:$0xe]  }
0xa5: {  	[tilespmem:s21], [sflag:$0x5] =	stream.indirect_vreg.gather [hbm4b:s9+s3], $0x80, v2, vm0, $0xb8;
	[tilespmem:$0x18200] =	vst v63  }
0xa6: {  	s23 =	rddreg [dreg:$0xf]  }
0xa7: {  	[tilespmem:s23], [sflag:$0x5] =	stream.indirect_vreg.gather [hbm4b:s10+s3], $0x80, v2, vm0, $0xb8;
	[tilespmem:$0x18200] =	vst v63  }
0xa8: {  	s21 =	rddreg [dreg:$0x10]  }
0xa9: {  	[tilespmem:s21], [sflag:$0x5] =	stream.indirect_vreg.gather [hbm4b:s11+s3], $0x80, v2, vm0, $0xb8;
	[tilespmem:$0x18200] =	vst v63  }
0xaa: {  	s21 =	simm.s32 @!p0 $0xC  }
0xab: {  	_ =	swait.ge @!p0 [sflag:s21], $0x4000  }
0xac: {  	[sflag:s21] =	ssyncset.done @!p0 $0x0  }
0xad: {  	[sflag:s21] =	ssyncadd.s32 @!p0 $0xFFFFC000  }
0xae: {  	v2 =	vld.msk [tilespmem:s19+$0x10], $0xff;
	_ =	sdelay $0x4  }
0xaf: {  	v3 =	vshll.u32 v2, $0x4  }
0xb0: {  	v2 =	vand.u32 $0x7, v2;
	v3 =	vand.u32 $0xFFFFFF80, v3  }
0xb1: {  	v2 =	vor.u32 v2, v3  }
0xb2: {  	v2 =	vperm.xlane v2, v0;
	_ =	sdelay $0x1  }
0xb3: {  	v2 =	vadd.s32 v1, v2;
	_ =	sdelay $0x4  }
0xb4: {  	[tilespmem:s2], [sflag:$0x6] =	stream.indirect_vreg.gather [hbm4b:s1+s3], $0x80, v2, vm0, $0xb8;
	[tilespmem:$0x18200] =	vst v63  }
0xb5: {  	s21 =	rddreg [dreg:$0x11]  }
0xb6: {  	[tilespmem:s21], [sflag:$0x6] =	stream.indirect_vreg.gather [hbm4b:s5+s3], $0x80, v2, vm0, $0xb8;
	[tilespmem:$0x18200] =	vst v63  }
0xb7: {  	s23 =	rddreg [dreg:$0x12]  }
0xb8: {  	[tilespmem:s23], [sflag:$0x6] =	stream.indirect_vreg.gather [hbm4b:s6+s3], $0x80, v2, vm0, $0xb8;
	[tilespmem:$0x18200] =	vst v63  }
0xb9: {  	s21 =	rddreg [dreg:$0x13]  }
0xba: {  	[tilespmem:s21], [sflag:$0x6] =	stream.indirect_vreg.gather [hbm4b:s7+s3], $0x80, v2, vm0, $0xb8;
	[tilespmem:$0x18200] =	vst v63  }
0xbb: {  	s23 =	rddreg [dreg:$0x14]  }
0xbc: {  	[tilespmem:s23], [sflag:$0x6] =	stream.indirect_vreg.gather [hbm4b:s8+s3], $0x80, v2, vm0, $0xb8;
	[tilespmem:$0x18200] =	vst v63  }
0xbd: {  	s21 =	rddreg [dreg:$0x15]  }
0xbe: {  	[tilespmem:s21], [sflag:$0x6] =	stream.indirect_vreg.gather [hbm4b:s9+s3], $0x80, v2, vm0, $0xb8;
	[tilespmem:$0x18200] =	vst v63  }
0xbf: {  	s23 =	rddreg [dreg:$0x16]  }
0xc0: {  	[tilespmem:s23], [sflag:$0x6] =	stream.indirect_vreg.gather [hbm4b:s10+s3], $0x80, v2, vm0, $0xb8;
	[tilespmem:$0x18200] =	vst v63  }
0xc1: {  	s21 =	rddreg [dreg:$0x17]  }
0xc2: {  	[tilespmem:s21], [sflag:$0x6] =	stream.indirect_vreg.gather [hbm4b:s11+s3], $0x80, v2, vm0, $0xb8;
	[tilespmem:$0x18200] =	vst v63  }
0xc3: {  	_ =	swait.ge [sflag:s17], $0x4000  }
0xc4: {  	s21 =	rddreg [dreg:$0x5];
	[sflag:s17] =	ssyncset.done $0x0  }
0xc5: {  	[sflag:s17] =	ssyncadd.s32 $0xFFFFC000;
	s21 =	sadd.s32 s20, s21  }
0xc6: {  	[hbm4b:s21+s3] =	stream.linear.scatter [tilespmem:s18], [sflag:$0x7], $0x4000, $0x38;
	[tilespmem:$0x18200] =	vst v63  }
0xc7: {  	_ =	swait.ge [sflag:s4], $0x4000  }
0xc8: {  	s21 =	rddreg [dreg:$0x8];
	[sflag:s4] =	ssyncset.done $0x0  }
0xc9: {  	[sflag:s4] =	ssyncadd.s32 $0xFFFFC000;
	s21 =	sadd.s32 s20, s21  }
0xca: {  	[hbm4b:s21+s3] =	stream.linear.scatter [tilespmem:s28], [sflag:$0x8], $0x4000, $0x38;
	[tilespmem:$0x18200] =	vst v63  }
0xcb: {  	_ =	swait.ge [sflag:s13], $0x4000  }
0xcc: {  	s21 =	rddreg [dreg:$0x9];
	[sflag:s13] =	ssyncset.done $0x0  }
0xcd: {  	[sflag:s13] =	ssyncadd.s32 $0xFFFFC000;
	s21 =	sadd.s32 s20, s21  }
0xce: {  	[hbm4b:s21+s3] =	stream.linear.scatter [tilespmem:s12], [sflag:$0x9], $0x4000, $0x38;
	[tilespmem:$0x18200] =	vst v63  }
0xcf: {  	_ =	swait.ge [sflag:s14], $0x4000  }
0xd0: {  	s21 =	rddreg [dreg:$0x7];
	[sflag:s14] =	ssyncset.done $0x0  }
0xd1: {  	[sflag:s14] =	ssyncadd.s32 $0xFFFFC000;
	s21 =	sadd.s32 s20, s21  }
0xd2: {  	[hbm4b:s21+s3] =	stream.linear.scatter [tilespmem:s22], [sflag:$0xA], $0x4000, $0x38;
	[tilespmem:$0x18200] =	vst v63  }
0xd3: {  	_ =	swait.ge [sflag:s15], $0x4000  }
0xd4: {  	s21 =	rddreg [dreg:$0x6];
	[sflag:s15] =	ssyncset.done $0x0  }
0xd5: {  	[sflag:s15] =	ssyncadd.s32 $0xFFFFC000;
	s21 =	sadd.s32 s20, s21  }
0xd6: {  	[hbm4b:s21+s3] =	stream.linear.scatter [tilespmem:s0], [sflag:$0xB], $0x4000, $0x38;
	[tilespmem:$0x18200] =	vst v63  }
0xd7: {  	_ =	swait.ge [sflag:s16], $0x4000  }
0xd8: {  	s21 =	rddreg [dreg:$0x4]  }
0xd9: {  	s21 =	sadd.s32 s20, s21;
	s20 =	sadd.s32 $0x3000, s20  }
0xda: {  	p0 =	sne.s32 s20, $0x1E000  }
.Ltmp0:
0xdb: {  	_ = 	snop;
	(pc) =	sbr.rel @p0 .LBB2_2-.Ltmp0, $4  }
0xdc: {  	_ = 	snop  }
0xdd: {  	[sflag:s16] =	ssyncset.done $0x0  }
0xde: {  	s19 =	sadd.s32 $0x30, s19;
	s23 =	simm.s32 $0xA00;
	[sflag:s16] =	ssyncadd.s32 $0xFFFFC000  }
0xdf: {  	[hbm4b:s21+s3] =	stream.linear.scatter [tilespmem:s2], [sflag:$0xC], $0x4000, $0x38;
	[tilespmem:$0x18200] =	vst v63  }
0xe0: {  	s20 =	simm.s32 $0x7  }
0xe1: {  	_ =	swait.ge [sflag:s20], $0x4000  }
0xe2: {  	[sflag:s20] =	ssyncset.done $0x0  }
0xe3: {  	[sflag:s20] =	ssyncadd.s32 $0xFFFFC000  }
0xe4: {  	v2 =	vld.msk [tilespmem:$0x1E0], $0xff;
	_ =	sdelay $0x4  }
0xe5: {  	v3 =	vshll.u32 v2, $0x4  }
0xe6: {  	v2 =	vand.u32 $0x7, v2;
	v3 =	vand.u32 $0xFFFFFF80, v3  }
0xe7: {  	v2 =	vor.u32 v2, v3  }
0xe8: {  	v2 =	vperm.xlane v2, v0;
	_ =	sdelay $0x1  }
0xe9: {  	v2 =	vadd.s32 v1, v2;
	_ =	sdelay $0x4  }
0xea: {  	[tilespmem:s18], [sflag:$0x1] =	stream.indirect_vreg.gather [hbm4b:s1+s3], $0x80, v2, vm0, $0xb8;
	[tilespmem:$0x18200] =	vst v63  }
0xeb: {  	_ = 	snop  }
0xec: {  	[tilespmem:s23], [sflag:$0x1] =	stream.indirect_vreg.gather [hbm4b:s5+s3], $0x80, v2, vm0, $0xb8;
	[tilespmem:$0x18200] =	vst v63  }
0xed: {  	_ = 	snop  }
0xee: {  	[tilespmem:s24], [sflag:$0x1] =	stream.indirect_vreg.gather [hbm4b:s6+s3], $0x80, v2, vm0, $0xb8;
	[tilespmem:$0x18200] =	vst v63  }
0xef: {  	_ = 	snop  }
0xf0: {  	[tilespmem:s25], [sflag:$0x1] =	stream.indirect_vreg.gather [hbm4b:s7+s3], $0x80, v2, vm0, $0xb8;
	[tilespmem:$0x18200] =	vst v63  }
0xf1: {  	_ = 	snop  }
0xf2: {  	[tilespmem:s26], [sflag:$0x1] =	stream.indirect_vreg.gather [hbm4b:s8+s3], $0x80, v2, vm0, $0xb8;
	[tilespmem:$0x18200] =	vst v63  }
0xf3: {  	_ = 	snop  }
0xf4: {  	[tilespmem:s29], [sflag:$0x1] =	stream.indirect_vreg.gather [hbm4b:s9+s3], $0x80, v2, vm0, $0xb8;
	[tilespmem:$0x18200] =	vst v63  }
0xf5: {  	_ = 	snop  }
0xf6: {  	[tilespmem:s30], [sflag:$0x1] =	stream.indirect_vreg.gather [hbm4b:s10+s3], $0x80, v2, vm0, $0xb8;
	[tilespmem:$0x18200] =	vst v63  }
0xf7: {  	s21 =	simm.s32 $0x8  }
0xf8: {  	[tilespmem:s31], [sflag:$0x1] =	stream.indirect_vreg.gather [hbm4b:s11+s3], $0x80, v2, vm0, $0xb8;
	[tilespmem:$0x18200] =	vst v63  }
0xf9: {  	_ =	swait.ge [sflag:s21], $0x4000  }
0xfa: {  	[sflag:s21] =	ssyncset.done $0x0  }
0xfb: {  	[sflag:s21] =	ssyncadd.s32 $0xFFFFC000  }
0xfc: {  	v2 =	vld.msk [tilespmem:$0x1E8], $0xff;
	_ =	sdelay $0x4  }
0xfd: {  	v3 =	vshll.u32 v2, $0x4  }
0xfe: {  	v2 =	vand.u32 $0x7, v2;
	v3 =	vand.u32 $0xFFFFFF80, v3  }
0xff: {  	v2 =	vor.u32 v2, v3  }
0x100: {  	v2 =	vperm.xlane v2, v0;
	_ =	sdelay $0x1  }
0x101: {  	v2 =	vadd.s32 v1, v2;
	_ =	sdelay $0x4  }
0x102: {  	[tilespmem:s28], [sflag:$0x2] =	stream.indirect_vreg.gather [hbm4b:s1+s3], $0x80, v2, vm0, $0xb8;
	[tilespmem:$0x18200] =	vst v63  }
0x103: {  	s19 =	simm.s32 $0x4A00  }
0x104: {  	[tilespmem:s19], [sflag:$0x2] =	stream.indirect_vreg.gather [hbm4b:s5+s3], $0x80, v2, vm0, $0xb8;
	[tilespmem:$0x18200] =	vst v63  }
0x105: {  	s25 =	simm.s32 $0x5200  }
0x106: {  	[tilespmem:s25], [sflag:$0x2] =	stream.indirect_vreg.gather [hbm4b:s6+s3], $0x80, v2, vm0, $0xb8;
	[tilespmem:$0x18200] =	vst v63  }
0x107: {  	s24 =	simm.s32 $0x5A00  }
0x108: {  	[tilespmem:s24], [sflag:$0x2] =	stream.indirect_vreg.gather [hbm4b:s7+s3], $0x80, v2, vm0, $0xb8;
	[tilespmem:$0x18200] =	vst v63  }
0x109: {  	s25 =	simm.s32 $0x6200  }
0x10a: {  	[tilespmem:s25], [sflag:$0x2] =	stream.indirect_vreg.gather [hbm4b:s8+s3], $0x80, v2, vm0, $0xb8;
	[tilespmem:$0x18200] =	vst v63  }
0x10b: {  	s24 =	simm.s32 $0x6A00  }
0x10c: {  	[tilespmem:s24], [sflag:$0x2] =	stream.indirect_vreg.gather [hbm4b:s9+s3], $0x80, v2, vm0, $0xb8;
	[tilespmem:$0x18200] =	vst v63  }
0x10d: {  	s25 =	simm.s32 $0x7200  }
0x10e: {  	[tilespmem:s25], [sflag:$0x2] =	stream.indirect_vreg.gather [hbm4b:s10+s3], $0x80, v2, vm0, $0xb8;
	[tilespmem:$0x18200] =	vst v63  }
0x10f: {  	s24 =	simm.s32 $0x7A00  }
0x110: {  	[tilespmem:s24], [sflag:$0x2] =	stream.indirect_vreg.gather [hbm4b:s11+s3], $0x80, v2, vm0, $0xb8;
	[tilespmem:$0x18200] =	vst v63  }
0x111: {  	s24 =	simm.s32 $0x9  }
0x112: {  	_ =	swait.ge [sflag:s24], $0x4000  }
0x113: {  	[sflag:s24] =	ssyncset.done $0x0  }
0x114: {  	[sflag:s24] =	ssyncadd.s32 $0xFFFFC000  }
0x115: {  	v2 =	vld.msk [tilespmem:$0x1F0], $0xff;
	_ =	sdelay $0x4  }
0x116: {  	v3 =	vshll.u32 v2, $0x4  }
0x117: {  	v2 =	vand.u32 $0x7, v2;
	v3 =	vand.u32 $0xFFFFFF80, v3  }
0x118: {  	v2 =	vor.u32 v2, v3  }
0x119: {  	v2 =	vperm.xlane v2, v0;
	_ =	sdelay $0x1  }
0x11a: {  	v2 =	vadd.s32 v1, v2;
	_ =	sdelay $0x4  }
0x11b: {  	[tilespmem:s12], [sflag:$0x3] =	stream.indirect_vreg.gather [hbm4b:s1+s3], $0x80, v2, vm0, $0xb8;
	[tilespmem:$0x18200] =	vst v63  }
0x11c: {  	s25 =	simm.s32 $0x8A00  }
0x11d: {  	[tilespmem:s25], [sflag:$0x3] =	stream.indirect_vreg.gather [hbm4b:s5+s3], $0x80, v2, vm0, $0xb8;
	[tilespmem:$0x18200] =	vst v63  }
0x11e: {  	s25 =	simm.s32 $0x9200  }
0x11f: {  	[tilespmem:s25], [sflag:$0x3] =	stream.indirect_vreg.gather [hbm4b:s6+s3], $0x80, v2, vm0, $0xb8;
	[tilespmem:$0x18200] =	vst v63  }
0x120: {  	s25 =	simm.s32 $0x9A00  }
0x121: {  	[tilespmem:s25], [sflag:$0x3] =	stream.indirect_vreg.gather [hbm4b:s7+s3], $0x80, v2, vm0, $0xb8;
	[tilespmem:$0x18200] =	vst v63  }
0x122: {  	s25 =	simm.s32 $0xA200  }
0x123: {  	[tilespmem:s25], [sflag:$0x3] =	stream.indirect_vreg.gather [hbm4b:s8+s3], $0x80, v2, vm0, $0xb8;
	[tilespmem:$0x18200] =	vst v63  }
0x124: {  	s25 =	simm.s32 $0xAA00  }
0x125: {  	[tilespmem:s25], [sflag:$0x3] =	stream.indirect_vreg.gather [hbm4b:s9+s3], $0x80, v2, vm0, $0xb8;
	[tilespmem:$0x18200] =	vst v63  }
0x126: {  	s25 =	simm.s32 $0xB200  }
0x127: {  	[tilespmem:s25], [sflag:$0x3] =	stream.indirect_vreg.gather [hbm4b:s10+s3], $0x80, v2, vm0, $0xb8;
	[tilespmem:$0x18200] =	vst v63  }
0x128: {  	s25 =	simm.s32 $0xBA00  }
0x129: {  	[tilespmem:s25], [sflag:$0x3] =	stream.indirect_vreg.gather [hbm4b:s11+s3], $0x80, v2, vm0, $0xb8;
	[tilespmem:$0x18200] =	vst v63  }
0x12a: {  	s25 =	simm.s32 $0xA  }
0x12b: {  	_ =	swait.ge [sflag:s25], $0x4000  }
0x12c: {  	[sflag:s25] =	ssyncset.done $0x0  }
0x12d: {  	[sflag:s25] =	ssyncadd.s32 $0xFFFFC000  }
0x12e: {  	v2 =	vld.msk [tilespmem:$0x1F8], $0xff;
	_ =	sdelay $0x4  }
0x12f: {  	v3 =	vshll.u32 v2, $0x4  }
0x130: {  	v2 =	vand.u32 $0x7, v2;
	v3 =	vand.u32 $0xFFFFFF80, v3  }
0x131: {  	v2 =	vor.u32 v2, v3  }
0x132: {  	v2 =	vperm.xlane v2, v0;
	_ =	sdelay $0x1  }
0x133: {  	v2 =	vadd.s32 v1, v2;
	_ =	sdelay $0x4  }
0x134: {  	[tilespmem:s22], [sflag:$0x4] =	stream.indirect_vreg.gather [hbm4b:s1+s3], $0x80, v2, vm0, $0xb8;
	[tilespmem:$0x18200] =	vst v63  }
0x135: {  	s19 =	simm.s32 $0xCA00  }
0x136: {  	[tilespmem:s19], [sflag:$0x4] =	stream.indirect_vreg.gather [hbm4b:s5+s3], $0x80, v2, vm0, $0xb8;
	[tilespmem:$0x18200] =	vst v63  }
0x137: {  	s19 =	simm.s32 $0xD200  }
0x138: {  	[tilespmem:s19], [sflag:$0x4] =	stream.indirect_vreg.gather [hbm4b:s6+s3], $0x80, v2, vm0, $0xb8;
	[tilespmem:$0x18200] =	vst v63  }
0x139: {  	s19 =	simm.s32 $0xDA00  }
0x13a: {  	[tilespmem:s19], [sflag:$0x4] =	stream.indirect_vreg.gather [hbm4b:s7+s3], $0x80, v2, vm0, $0xb8;
	[tilespmem:$0x18200] =	vst v63  }
0x13b: {  	s19 =	simm.s32 $0xE200  }
0x13c: {  	[tilespmem:s19], [sflag:$0x4] =	stream.indirect_vreg.gather [hbm4b:s8+s3], $0x80, v2, vm0, $0xb8;
	[tilespmem:$0x18200] =	vst v63  }
0x13d: {  	s19 =	simm.s32 $0xEA00  }
0x13e: {  	[tilespmem:s19], [sflag:$0x4] =	stream.indirect_vreg.gather [hbm4b:s9+s3], $0x80, v2, vm0, $0xb8;
	[tilespmem:$0x18200] =	vst v63  }
0x13f: {  	s19 =	simm.s32 $0xF200  }
0x140: {  	[tilespmem:s19], [sflag:$0x4] =	stream.indirect_vreg.gather [hbm4b:s10+s3], $0x80, v2, vm0, $0xb8;
	[tilespmem:$0x18200] =	vst v63  }
0x141: {  	s19 =	simm.s32 $0xFA00  }
0x142: {  	[tilespmem:s19], [sflag:$0x4] =	stream.indirect_vreg.gather [hbm4b:s11+s3], $0x80, v2, vm0, $0xb8;
	[tilespmem:$0x18200] =	vst v63  }
0x143: {  	_ =	swait.ge [sflag:s17], $0x4000  }
0x144: {  	[sflag:s17] =	ssyncset.done $0x0  }
0x145: {  	s19 =	rddreg [dreg:$0x19];
	[sflag:s17] =	ssyncadd.s32 $0xFFFFC000  }
0x146: {  	[hbm4b:s19+s3] =	stream.linear.scatter [tilespmem:s18], [sflag:$0x7], $0x4000, $0x38;
	[tilespmem:$0x18200] =	vst v63  }
0x147: {  	_ =	swait.ge [sflag:s20], $0x4000  }
0x148: {  	[sflag:s20] =	ssyncset.done $0x0  }
0x149: {  	[sflag:s20] =	ssyncadd.s32 $0xFFFFC000  }
0x14a: {  	_ =	swait.ge [sflag:s4], $0x4000  }
0x14b: {  	[sflag:s4] =	ssyncset.done $0x0  }
0x14c: {  	s20 =	rddreg [dreg:$0x1a];
	[sflag:s4] =	ssyncadd.s32 $0xFFFFC000  }
0x14d: {  	[hbm4b:s20+s3] =	stream.linear.scatter [tilespmem:s28], [sflag:$0x8], $0x4000, $0x38;
	[tilespmem:$0x18200] =	vst v63  }
0x14e: {  	_ =	swait.ge [sflag:s21], $0x4000  }
0x14f: {  	[sflag:s21] =	ssyncset.done $0x0  }
0x150: {  	[sflag:s21] =	ssyncadd.s32 $0xFFFFC000  }
0x151: {  	_ =	swait.ge [sflag:s13], $0x4000  }
0x152: {  	[sflag:s13] =	ssyncset.done $0x0  }
0x153: {  	s21 =	rddreg [dreg:$0x1b];
	[sflag:s13] =	ssyncadd.s32 $0xFFFFC000  }
0x154: {  	[hbm4b:s21+s3] =	stream.linear.scatter [tilespmem:s12], [sflag:$0x9], $0x4000, $0x38;
	[tilespmem:$0x18200] =	vst v63  }
0x155: {  	_ =	swait.ge [sflag:s24], $0x4000  }
0x156: {  	[sflag:s24] =	ssyncset.done $0x0  }
0x157: {  	[sflag:s24] =	ssyncadd.s32 $0xFFFFC000  }
0x158: {  	_ =	swait.ge [sflag:s14], $0x4000  }
0x159: {  	[sflag:s14] =	ssyncset.done $0x0  }
0x15a: {  	s20 =	rddreg [dreg:$0x1c];
	[sflag:s14] =	ssyncadd.s32 $0xFFFFC000  }
0x15b: {  	[hbm4b:s20+s3] =	stream.linear.scatter [tilespmem:s22], [sflag:$0xA], $0x4000, $0x38;
	[tilespmem:$0x18200] =	vst v63  }
0x15c: {  	_ =	swait.ge [sflag:s25], $0x4000  }
0x15d: {  	[sflag:s25] =	ssyncset.done $0x0  }
0x15e: {  	s21 =	simm.s32 $0xB;
	[sflag:s25] =	ssyncadd.s32 $0xFFFFC000  }
0x15f: {  	_ =	swait.ge [sflag:s21], $0x4000  }
0x160: {  	[sflag:s21] =	ssyncset.done $0x0  }
0x161: {  	s20 =	simm.s32 $0xC;
	[sflag:s21] =	ssyncadd.s32 $0xFFFFC000  }
0x162: {  	_ =	swait.ge [sflag:s20], $0x4000  }
0x163: {  	s24 =	rddreg [dreg:$0x1e]  }
0x164: {  	s25 =	rddreg [dreg:$0x1d];
	s21 =	sadd.s32 $0x1, s24  }
0x165: {  	p0 =	sne.s32 s21, s25  }
.Ltmp1:
0x166: {  	_ = 	snop;
	(pc) =	sbr.rel @p0 .LBB2_1-.Ltmp1, $3  }
0x167: {  	_ =	sdelay $0x1  }
0x168: {  	[sflag:s20] =	ssyncset.done $0x0  }
0x169: {  	[sflag:s20] =	ssyncadd.s32 $0xFFFFC000  }
0x16a: {  	_ =	sfence.sel $0x180000  }
0x16b: {  	[bflag:$0x0] =	sbarrier.arrive $0xFFFF  }
0x16c: {  	_ =	strace $0x90000047  }
0x16d: {  	s0 =	stileid.u32;
	[bflag:$0x2] =	sbarrier.arrive $0xFFFF  }
0x16e: {  	p0 =	sne.s32 s0, $0x0;
	s0 =	rddreg [dreg:$0x3]  }
0x16f: {  	s0 =	sadd.s32 @!p0 $0x100000, s0  }
0x170: {  	[sflag:s0] =	ssyncadd.tile.s32 @!p0 $0x1;
	_ =	shalt  }
.Lfunc_end2:
_tile_overlayer_lowered:
.L_overlay_start_2:
0x171: {  	(tag) =	ssettag $0x2  }
0x172: {  	s0 =	rddreg [dreg:$0x0];
	s2 =	stileid.u32  }
0x173: {  	s1 =	rddreg [dreg:$0x1];
	p0 =	sne.s32 s2, $0x0  }
0x174: {  	s3 =	rddreg [dreg:$0x2];
	[bflag:$0x3] =	sbarrier.arrive $0xFFFF;
	s2 =	simm.s32 @!p0 $0x1C0D  }
0x175: {  	[timem:s3], [sflag:s2] =	dma.local @!p0 [hbm:s0], s1  }
0x176: {  	s0 =	simm.s32 @!p0 $0xD  }
0x177: {  	_ =	swait.ge @!p0 [sflag:s0], s1  }
0x178: {  	s1 =	ssub.s32 @!p0 $0x0, s1;
	[sflag:s0] =	ssyncset.done @!p0 $0x0  }
0x179: {  	[sflag:s0] =	ssyncadd.s32 @!p0 s1  }
0x17a: {  	[bflag:$0x3] =	sbarrier.arrive $0xFFFF  }
0x17b: {  	_ =	shalt  }

</sc_bundles>
